<compile_context>
chip_gen: v7x
topology: tpu7x:2x2x1
jax: 0.10.2.dev20260603
libtpu: 0.0.44.dev20260713+nightly
codegen_flags: <defaults>
</compile_context>

<pallas_src>
import functools

import jax
import jax.numpy as jnp
from jax import lax
from jax.experimental import pallas as pl
from jax.experimental.pallas import tpu as pltpu
from jax.experimental.pallas import tpu_sc as plsc

F = 26
V = 100000
D = 32
B = 16384
ND = 13

NC = 2
NS = 16
NW = NC * NS
CHUNK = 4096
NCH = B // CHUNK

BT = 1024


def _sc_gather(idx, deep_t, wide_t):
  mesh = plsc.VectorSubcoreMesh(core_axis_name="c", subcore_axis_name="s")

  @functools.partial(
      pl.kernel,
      out_type=(
          jax.ShapeDtypeStruct((F * D, B), jnp.float32),
          jax.ShapeDtypeStruct((F, B), jnp.float32),
      ),
      mesh=mesh,
      scratch_types=[
          pltpu.VMEM((1, V), jnp.float32),
          pltpu.VMEM((1, CHUNK), jnp.int32),
          pltpu.VMEM((1, CHUNK), jnp.int32),
          pltpu.VMEM((1, CHUNK), jnp.float32),
          pltpu.VMEM((1, CHUNK), jnp.float32),
          pltpu.SemaphoreType.DMA,
          pltpu.SemaphoreType.DMA,
          pltpu.SemaphoreType.DMA,
          pltpu.SemaphoreType.DMA,
          pltpu.SemaphoreType.DMA,
      ],
      compiler_params=pltpu.CompilerParams(use_tc_tiling_on_sc=True,
                                           needs_layout_passes=False),
  )
  def k(idx_hbm, deep_hbm, wide_hbm, emb_out, wide_out,
        row_v, idx0_v, idx1_v, g0_v, g1_v,
        rsem, isem0, isem1, osem0, osem1):
    c = lax.axis_index("c")
    s = lax.axis_index("s")
    w = s * NC + c

    zero16 = jnp.zeros((16,), jnp.int32)
    idxb = (idx0_v, idx1_v)
    goutb = (g0_v, g1_v)
    isems = (isem0, isem1)
    osems = (osem0, osem1)

    def gather_chunk(idxc_v, gout_v):
      def g(i, carry):
        for u in range(8):
          sl = pl.ds((i * 8 + u) * 16, 16)
          gout_v[0, sl] = plsc.load_gather(row_v, [zero16, idxc_v[0, sl]])
        return carry
      lax.fori_loop(0, CHUNK // (16 * 8), g, 0)

    def row_pipeline(src_hbm, src_row, idx_row, out_hbm, out_row):
      def idx_slice(h):
        return idx_hbm.at[pl.ds(idx_row, 1), pl.ds(h * CHUNK, CHUNK)]

      def out_slice(h):
        return out_hbm.at[pl.ds(out_row, 1), pl.ds(h * CHUNK, CHUNK)]

      pltpu.async_copy(src_hbm.at[pl.ds(src_row, 1)], row_v, rsem)
      pltpu.async_copy(idx_slice(0), idxb[0], isems[0])
      pltpu.async_copy(idx_slice(1), idxb[1], isems[1])
      pltpu.make_async_copy(src_hbm.at[pl.ds(src_row, 1)], row_v,
                            rsem).wait()
      for h in range(NCH):
        b = h % 2
        pltpu.make_async_copy(idx_slice(h), idxb[b], isems[b]).wait()
        if h >= 2:
          pltpu.make_async_copy(goutb[b], out_slice(h - 2), osems[b]).wait()
        gather_chunk(idxb[b], goutb[b])
        if h + 2 < NCH:
          pltpu.async_copy(idx_slice(h + 2), idxb[b], isems[b])
        pltpu.async_copy(goutb[b], out_slice(h), osems[b])
      for h in (NCH - 2, NCH - 1):
        b = h % 2
        pltpu.make_async_copy(goutb[b], out_slice(h), osems[b]).wait()

    def deep_body(f, carry):
      row_pipeline(deep_hbm, f * D + w, f, emb_out, f * D + w)
      return carry

    lax.fori_loop(0, F, deep_body, 0)

    @pl.when(w < F)
    def _wide():
      row_pipeline(wide_hbm, w, w, wide_out, w)

  return k(idx, deep_t, wide_t)


def _tc_mlp(emb_t, dense_t, wide2, dwt, db, w1e, w1d, b1, w2, b2, w3, b3,
            wwt, wb, bias):
  c0 = (((0,), (0,)), ((), ()))

  def body(emb_ref, dense_ref, ws_ref, dwt_ref, db_ref, w1e_ref, w1d_ref,
           b1_ref, w2_ref, b2_ref, w3_ref, b3_ref, wwt_ref, wb_ref,
           bias_ref, out_ref):
    bf = jnp.bfloat16
    dense_blk = dense_ref[...]
    dd = lax.dot_general(dense_blk, dwt_ref[...], c0,
                         preferred_element_type=jnp.float32) + db_ref[...]
    h1 = lax.dot_general(emb_ref[...].astype(bf), w1e_ref[...].astype(bf),
                         c0, preferred_element_type=jnp.float32)
    h1 = h1 + jnp.dot(dd, w1d_ref[...],
                      preferred_element_type=jnp.float32) + b1_ref[...]
    h1 = jnp.maximum(h1, 0.0)
    h2 = jnp.maximum(
        jnp.dot(h1.astype(bf), w2_ref[...].astype(bf),
                preferred_element_type=jnp.float32)
        + b2_ref[...], 0.0)
    h3 = jnp.maximum(
        jnp.dot(h2.astype(bf), w3_ref[...].astype(bf),
                preferred_element_type=jnp.float32)
        + b3_ref[...], 0.0)
    wd = lax.dot_general(dense_blk, wwt_ref[...], c0,
                         preferred_element_type=jnp.float32) + wb_ref[...]
    ws = lax.dot_general(ws_ref[...], jnp.ones((F, 1), jnp.float32), c0,
                         preferred_element_type=jnp.float32)
    out_ref[...] = bias_ref[...] + ws + wd + h3

  full = lambda a: pl.BlockSpec(a.shape, lambda i: (0,) * a.ndim)
  col_spec = lambda rows: pl.BlockSpec((rows, BT), lambda i: (0, i))
  return pl.pallas_call(
      body,
      grid=(B // BT,),
      in_specs=[
          col_spec(F * D),
          col_spec(ND),
          col_spec(F),
          full(dwt), full(db), full(w1e), full(w1d), full(b1),
          full(w2), full(b2), full(w3), full(b3),
          full(wwt), full(wb), full(bias),
      ],
      out_specs=pl.BlockSpec((BT, 1), lambda i: (i, 0)),
      out_shape=jax.ShapeDtypeStruct((B, 1), jnp.float32),
  )(emb_t, dense_t, wide2, dwt, db, w1e, w1d, b1, w2, b2, w3, b3,
    wwt, wb, bias)


def kernel(sparse_features, dense_features, wide_emb, wide_w, wide_b,
           deep_emb, deep_w, deep_b, W1, b1, W2, b2, W3, b3, bias):
  deep_t = deep_emb.transpose(0, 2, 1).reshape(F * D, V)
  wide_t = wide_emb.reshape(F, V)

  emb_t, wide2 = _sc_gather(sparse_features, deep_t, wide_t)

  return _tc_mlp(
      emb_t,
      dense_features.T,
      wide2,
      deep_w.T,
      deep_b.reshape(1, D),
      W1[:, D:].T,
      W1[:, :D].T,
      b1.reshape(1, 512),
      W2.T,
      b2.reshape(1, 256),
      W3.T,
      b3.reshape(1, 1),
      wide_w.T,
      wide_b.reshape(1, 1),
      bias,
  )

# --- scband reference (transcript-rebuilt; emitter-appended) ---
"""Pipeline reference for scband-wide-and-deep-47966194762037 (READ-ONLY COPY).

The authoritative reference and input builder live on the scoring server;
editing this copy changes nothing except your own understanding.
"""

import jax, jax.numpy as jnp
import numpy as np

F = 26
V = 100000
D = 32
B = 16384
ND = 13


def setup_inputs(seed: int = 0) -> dict:
    key = jax.random.key(seed)
    ks = jax.random.split(key, 16)
    s = 0.02
    inp = {}
    inp["sparse_features"] = jax.random.randint(ks[0], (F, B), 0, V, dtype=jnp.int32)
    inp["dense_features"] = jax.random.normal(ks[1], (B, ND), dtype=jnp.float32)
    inp["wide_emb"] = jax.random.normal(ks[2], (F, V, 1), dtype=jnp.float32) * s
    inp["wide_w"] = jax.random.normal(ks[3], (1, ND), dtype=jnp.float32) * s
    inp["wide_b"] = jnp.zeros((1,), dtype=jnp.float32)
    inp["deep_emb"] = jax.random.normal(ks[4], (F, V, D), dtype=jnp.float32) * s
    inp["deep_w"] = jax.random.normal(ks[5], (D, ND), dtype=jnp.float32) * s
    inp["deep_b"] = jnp.zeros((D,), dtype=jnp.float32)
    inp["W1"] = jax.random.normal(ks[6], (512, (F + 1) * D), dtype=jnp.float32) * s
    inp["b1"] = jnp.zeros((512,), dtype=jnp.float32)
    inp["W2"] = jax.random.normal(ks[7], (256, 512), dtype=jnp.float32) * s
    inp["b2"] = jnp.zeros((256,), dtype=jnp.float32)
    inp["W3"] = jax.random.normal(ks[8], (1, 256), dtype=jnp.float32) * s
    inp["b3"] = jnp.zeros((1,), dtype=jnp.float32)
    inp["bias"] = jnp.zeros((1, 1), dtype=jnp.float32)
    return inp


def reference(sparse_features, dense_features, wide_emb, wide_w, wide_b,
              deep_emb, deep_w, deep_b, W1, b1, W2, b2, W3, b3, bias):
    # wide part
    wide_dense_out = dense_features @ wide_w.T + wide_b  # [B, 1]
    wide_g = jax.vmap(lambda tbl, idx: jnp.take(tbl, idx, axis=0))(wide_emb, sparse_features)  # [F, B, 1]
    wide_cat = jnp.concatenate([wide_dense_out] + [wide_g[f] for f in range(F)], axis=1)  # [B, F+1]
    wide_out = wide_cat.sum(axis=1, keepdims=True)  # [B, 1]
    # deep part
    deep_dense_out = dense_features @ deep_w.T + deep_b  # [B, D]
    deep_g = jax.vmap(lambda tbl, idx: jnp.take(tbl, idx, axis=0))(deep_emb, sparse_features)  # [F, B, D]
    deep_cat = jnp.concatenate([deep_dense_out] + [deep_g[f] for f in range(F)], axis=1)  # [B, (F+1)*D]
    h = jax.nn.relu(deep_cat @ W1.T + b1)
    h = jax.nn.relu(h @ W2.T + b2)
    h = jax.nn.relu(h @ W3.T + b3)  # torch code appends ReLU after every Linear, incl. last
    logits = bias + wide_out + h
    return logits

if __name__ == "__main__":
    import jax
    _d = setup_inputs()
    print(jax.jit(kernel)(*tuple(_d.values())))

</pallas_src>

<mosaic_0001>
#map = affine_map<(d0, d1) -> (0, 0)>
module attributes {stable_mosaic.version = 14 : i64} {
  func.func @k(%arg0: i32, %arg1: i32, %arg2: memref<26x16384xi32, #tpu.memory_space<hbm>>, %arg3: memref<832x100000xf32, #tpu.memory_space<hbm>>, %arg4: memref<26x100000xf32, #tpu.memory_space<hbm>>, %arg5: memref<832x16384xf32, #tpu.memory_space<hbm>>, %arg6: memref<26x16384xf32, #tpu.memory_space<hbm>>, %arg7: memref<1x100000xf32, #tpu.memory_space<vmem>>, %arg8: memref<1x4096xi32, #tpu.memory_space<vmem>>, %arg9: memref<1x4096xi32, #tpu.memory_space<vmem>>, %arg10: memref<1x4096xf32, #tpu.memory_space<vmem>>, %arg11: memref<1x4096xf32, #tpu.memory_space<vmem>>, %arg12: memref<!tpu.dma_semaphore, #tpu.memory_space<semaphore_mem>>, %arg13: memref<!tpu.dma_semaphore, #tpu.memory_space<semaphore_mem>>, %arg14: memref<!tpu.dma_semaphore, #tpu.memory_space<semaphore_mem>>, %arg15: memref<!tpu.dma_semaphore, #tpu.memory_space<semaphore_mem>>, %arg16: memref<!tpu.dma_semaphore, #tpu.memory_space<semaphore_mem>>) attributes {dimension_semantics = [#tpu.dimension_semantics<core_parallel>, #tpu.dimension_semantics<subcore_parallel>], iteration_bounds = array<i64: 2, 16>, scalar_prefetch = 0 : i64, scratch_operands = 10 : i64, tpu.core_type = #tpu.core_type<sc_vector_subcore>, window_params = [{transform_indices = #map}, {transform_indices = #map}, {transform_indices = #map}, {transform_indices = #map}, {transform_indices = #map}]} {
    %mul3A = arith.constant 2 : i32
    %mul3A_0 = arith.muli %arg1, %mul3A : i32
    %add3A = arith.addi %mul3A_0, %arg0 : i32
    %broadcast_in_dim3A = arith.constant 0 : i32
    %broadcast_in_dim3A_1 = vector.broadcast %broadcast_in_dim3A : i32 to vector<16xi32>
    %scan3A = arith.constant 0 : i32
    %scan3A_2 = arith.constant 0 : i32
    %scan3A_3 = arith.constant 26 : i32
    %scan3A_4 = arith.addi %scan3A_2, %scan3A_3 : i32
    %scan3A_5 = arith.constant 1 : i32
    scf.for %scan3A_9 = %scan3A_2 to %scan3A_4 step %scan3A_5  : i32 {
      %mul3A_10 = arith.constant 32 : i32
      %mul3A_11 = arith.muli %scan3A_9, %mul3A_10 : i32
      %add3A_12 = arith.addi %mul3A_11, %add3A : i32
      %mul3A_13 = arith.constant 32 : i32
      %mul3A_14 = arith.muli %scan3A_9, %mul3A_13 : i32
      %add3A_15 = arith.addi %mul3A_14, %add3A : i32
      %dma_start3A = arith.constant 0 : i32
      %dma_start3A_16 = tpu.memref_slice %arg3[%add3A_12, %dma_start3A] : memref<832x100000xf32, #tpu.memory_space<hbm>> -> memref<1x100000xf32, #tpu.memory_space<hbm>>
      %dma_start3A_17 = arith.constant 0 : i32
      %dma_start3A_18 = tpu.memref_slice %arg3[%add3A_12, %dma_start3A_17] : memref<832x100000xf32, #tpu.memory_space<hbm>> -> memref<1x100000xf32, #tpu.memory_space<hbm>>
      tpu.enqueue_dma source(%dma_start3A_18 : memref<1x100000xf32, #tpu.memory_space<hbm>>) target(%arg7 : memref<1x100000xf32, #tpu.memory_space<vmem>>) target_semaphore(%arg12 : memref<!tpu.dma_semaphore, #tpu.memory_space<semaphore_mem>>)
      %dma_start3A_19 = arith.constant 0 : i32
      %dma_start3A_20 = tpu.memref_slice %arg2[%scan3A_9, %dma_start3A_19] : memref<26x16384xi32, #tpu.memory_space<hbm>> -> memref<1x4096xi32, #tpu.memory_space<hbm>>
      %dma_start3A_21 = arith.constant 0 : i32
      %dma_start3A_22 = tpu.memref_slice %arg2[%scan3A_9, %dma_start3A_21] : memref<26x16384xi32, #tpu.memory_space<hbm>> -> memref<1x4096xi32, #tpu.memory_space<hbm>>
      tpu.enqueue_dma source(%dma_start3A_22 : memref<1x4096xi32, #tpu.memory_space<hbm>>) target(%arg8 : memref<1x4096xi32, #tpu.memory_space<vmem>>) target_semaphore(%arg13 : memref<!tpu.dma_semaphore, #tpu.memory_space<semaphore_mem>>)
      %dma_start3A_23 = arith.constant 4096 : i32
      %dma_start3A_24 = tpu.memref_slice %arg2[%scan3A_9, %dma_start3A_23] : memref<26x16384xi32, #tpu.memory_space<hbm>> -> memref<1x4096xi32, #tpu.memory_space<hbm>>
      %dma_start3A_25 = arith.constant 4096 : i32
      %dma_start3A_26 = tpu.memref_slice %arg2[%scan3A_9, %dma_start3A_25] : memref<26x16384xi32, #tpu.memory_space<hbm>> -> memref<1x4096xi32, #tpu.memory_space<hbm>>
      tpu.enqueue_dma source(%dma_start3A_26 : memref<1x4096xi32, #tpu.memory_space<hbm>>) target(%arg9 : memref<1x4096xi32, #tpu.memory_space<vmem>>) target_semaphore(%arg14 : memref<!tpu.dma_semaphore, #tpu.memory_space<semaphore_mem>>)
      %dma_wait3A = arith.constant 0 : i32
      %dma_wait3A_27 = tpu.memref_slice %arg3[%add3A_12, %dma_wait3A] : memref<832x100000xf32, #tpu.memory_space<hbm>> -> memref<1x100000xf32, #tpu.memory_space<hbm>>
      %dma_wait3A_28 = arith.constant 0 : i32
      %dma_wait3A_29 = tpu.memref_slice %arg3[%add3A_12, %dma_wait3A_28] : memref<832x100000xf32, #tpu.memory_space<hbm>> -> memref<1x100000xf32, #tpu.memory_space<hbm>>
      tpu.wait_dma2 semaphore(%arg12 : memref<!tpu.dma_semaphore, #tpu.memory_space<semaphore_mem>>) src(%dma_wait3A_29 : memref<1x100000xf32, #tpu.memory_space<hbm>>) dst(%arg7 : memref<1x100000xf32, #tpu.memory_space<vmem>>)
      %dma_wait3A_30 = arith.constant 0 : i32
      %dma_wait3A_31 = tpu.memref_slice %arg2[%scan3A_9, %dma_wait3A_30] : memref<26x16384xi32, #tpu.memory_space<hbm>> -> memref<1x4096xi32, #tpu.memory_space<hbm>>
      %dma_wait3A_32 = arith.constant 0 : i32
      %dma_wait3A_33 = tpu.memref_slice %arg2[%scan3A_9, %dma_wait3A_32] : memref<26x16384xi32, #tpu.memory_space<hbm>> -> memref<1x4096xi32, #tpu.memory_space<hbm>>
      tpu.wait_dma2 semaphore(%arg13 : memref<!tpu.dma_semaphore, #tpu.memory_space<semaphore_mem>>) src(%dma_wait3A_33 : memref<1x4096xi32, #tpu.memory_space<hbm>>) dst(%arg8 : memref<1x4096xi32, #tpu.memory_space<vmem>>)
      %scan3A_34 = arith.constant 0 : i32
      %scan3A_35 = arith.constant 0 : i32
      %scan3A_36 = arith.constant 32 : i32
      %scan3A_37 = arith.addi %scan3A_35, %scan3A_36 : i32
      %scan3A_38 = arith.constant 1 : i32
      scf.for %scan3A_110 = %scan3A_35 to %scan3A_37 step %scan3A_38  : i32 {
        %mul3A_111 = arith.constant 8 : i32
        %mul3A_112 = arith.muli %scan3A_110, %mul3A_111 : i32
        %add3A_113 = arith.constant 0 : i32
        %add3A_114 = arith.addi %mul3A_112, %add3A_113 : i32
        %mul3A_115 = arith.constant 16 : i32
        %mul3A_116 = arith.muli %add3A_114, %mul3A_115 : i32
        %get3A = arith.constant 0 : i32
        %get3A_117 = arith.index_cast %get3A : i32 to index
        %get3A_118 = arith.index_cast %mul3A_116 : i32 to index
        %get3A_119 = tpu.vector_load %arg8[%get3A_117, %get3A_118] {strides = array<i32>} : memref<1x4096xi32, #tpu.memory_space<vmem>>, vector<16xi32>,
        %gather3A = tpu.vector_load_idx %arg7[%broadcast_in_dim3A_1, %get3A_119] : memref<1x100000xf32, #tpu.memory_space<vmem>>[vector<16xi32>, vector<16xi32>], vector<16xf32>,
        %swap3A = arith.constant 0 : i32
        %swap3A_120 = arith.index_cast %swap3A : i32 to index
        %swap3A_121 = arith.index_cast %mul3A_116 : i32 to index
        %swap3A_122 = tpu.vector_load %arg10[%swap3A_120, %swap3A_121] {strides = array<i32>} : memref<1x4096xf32, #tpu.memory_space<vmem>>, vector<16xf32>,
        tpu.vector_store %arg10[%swap3A_120, %swap3A_121], %gather3A {strides = array<i32>} : memref<1x4096xf32, #tpu.memory_space<vmem>>, vector<16xf32>,
        %mul3A_123 = arith.constant 8 : i32
        %mul3A_124 = arith.muli %scan3A_110, %mul3A_123 : i32
        %add3A_125 = arith.constant 1 : i32
        %add3A_126 = arith.addi %mul3A_124, %add3A_125 : i32
        %mul3A_127 = arith.constant 16 : i32
        %mul3A_128 = arith.muli %add3A_126, %mul3A_127 : i32
        %get3A_129 = arith.constant 0 : i32
        %get3A_130 = arith.index_cast %get3A_129 : i32 to index
        %get3A_131 = arith.index_cast %mul3A_128 : i32 to index
        %get3A_132 = tpu.vector_load %arg8[%get3A_130, %get3A_131] {strides = array<i32>} : memref<1x4096xi32, #tpu.memory_space<vmem>>, vector<16xi32>,
        %gather3A_133 = tpu.vector_load_idx %arg7[%broadcast_in_dim3A_1, %get3A_132] : memref<1x100000xf32, #tpu.memory_space<vmem>>[vector<16xi32>, vector<16xi32>], vector<16xf32>,
        %swap3A_134 = arith.constant 0 : i32
        %swap3A_135 = arith.index_cast %swap3A_134 : i32 to index
        %swap3A_136 = arith.index_cast %mul3A_128 : i32 to index
        %swap3A_137 = tpu.vector_load %arg10[%swap3A_135, %swap3A_136] {strides = array<i32>} : memref<1x4096xf32, #tpu.memory_space<vmem>>, vector<16xf32>,
        tpu.vector_store %arg10[%swap3A_135, %swap3A_136], %gather3A_133 {strides = array<i32>} : memref<1x4096xf32, #tpu.memory_space<vmem>>, vector<16xf32>,
        %mul3A_138 = arith.constant 8 : i32
        %mul3A_139 = arith.muli %scan3A_110, %mul3A_138 : i32
        %add3A_140 = arith.constant 2 : i32
        %add3A_141 = arith.addi %mul3A_139, %add3A_140 : i32
        %mul3A_142 = arith.constant 16 : i32
        %mul3A_143 = arith.muli %add3A_141, %mul3A_142 : i32
        %get3A_144 = arith.constant 0 : i32
        %get3A_145 = arith.index_cast %get3A_144 : i32 to index
        %get3A_146 = arith.index_cast %mul3A_143 : i32 to index
        %get3A_147 = tpu.vector_load %arg8[%get3A_145, %get3A_146] {strides = array<i32>} : memref<1x4096xi32, #tpu.memory_space<vmem>>, vector<16xi32>,
        %gather3A_148 = tpu.vector_load_idx %arg7[%broadcast_in_dim3A_1, %get3A_147] : memref<1x100000xf32, #tpu.memory_space<vmem>>[vector<16xi32>, vector<16xi32>], vector<16xf32>,
        %swap3A_149 = arith.constant 0 : i32
        %swap3A_150 = arith.index_cast %swap3A_149 : i32 to index
        %swap3A_151 = arith.index_cast %mul3A_143 : i32 to index
        %swap3A_152 = tpu.vector_load %arg10[%swap3A_150, %swap3A_151] {strides = array<i32>} : memref<1x4096xf32, #tpu.memory_space<vmem>>, vector<16xf32>,
        tpu.vector_store %arg10[%swap3A_150, %swap3A_151], %gather3A_148 {strides = array<i32>} : memref<1x4096xf32, #tpu.memory_space<vmem>>, vector<16xf32>,
        %mul3A_153 = arith.constant 8 : i32
        %mul3A_154 = arith.muli %scan3A_110, %mul3A_153 : i32
        %add3A_155 = arith.constant 3 : i32
        %add3A_156 = arith.addi %mul3A_154, %add3A_155 : i32
        %mul3A_157 = arith.constant 16 : i32
        %mul3A_158 = arith.muli %add3A_156, %mul3A_157 : i32
        %get3A_159 = arith.constant 0 : i32
        %get3A_160 = arith.index_cast %get3A_159 : i32 to index
        %get3A_161 = arith.index_cast %mul3A_158 : i32 to index
        %get3A_162 = tpu.vector_load %arg8[%get3A_160, %get3A_161] {strides = array<i32>} : memref<1x4096xi32, #tpu.memory_space<vmem>>, vector<16xi32>,
        %gather3A_163 = tpu.vector_load_idx %arg7[%broadcast_in_dim3A_1, %get3A_162] : memref<1x100000xf32, #tpu.memory_space<vmem>>[vector<16xi32>, vector<16xi32>], vector<16xf32>,
        %swap3A_164 = arith.constant 0 : i32
        %swap3A_165 = arith.index_cast %swap3A_164 : i32 to index
        %swap3A_166 = arith.index_cast %mul3A_158 : i32 to index
        %swap3A_167 = tpu.vector_load %arg10[%swap3A_165, %swap3A_166] {strides = array<i32>} : memref<1x4096xf32, #tpu.memory_space<vmem>>, vector<16xf32>,
        tpu.vector_store %arg10[%swap3A_165, %swap3A_166], %gather3A_163 {strides = array<i32>} : memref<1x4096xf32, #tpu.memory_space<vmem>>, vector<16xf32>,
        %mul3A_168 = arith.constant 8 : i32
        %mul3A_169 = arith.muli %scan3A_110, %mul3A_168 : i32
        %add3A_170 = arith.constant 4 : i32
        %add3A_171 = arith.addi %mul3A_169, %add3A_170 : i32
        %mul3A_172 = arith.constant 16 : i32
        %mul3A_173 = arith.muli %add3A_171, %mul3A_172 : i32
        %get3A_174 = arith.constant 0 : i32
        %get3A_175 = arith.index_cast %get3A_174 : i32 to index
        %get3A_176 = arith.index_cast %mul3A_173 : i32 to index
        %get3A_177 = tpu.vector_load %arg8[%get3A_175, %get3A_176] {strides = array<i32>} : memref<1x4096xi32, #tpu.memory_space<vmem>>, vector<16xi32>,
        %gather3A_178 = tpu.vector_load_idx %arg7[%broadcast_in_dim3A_1, %get3A_177] : memref<1x100000xf32, #tpu.memory_space<vmem>>[vector<16xi32>, vector<16xi32>], vector<16xf32>,
        %swap3A_179 = arith.constant 0 : i32
        %swap3A_180 = arith.index_cast %swap3A_179 : i32 to index
        %swap3A_181 = arith.index_cast %mul3A_173 : i32 to index
        %swap3A_182 = tpu.vector_load %arg10[%swap3A_180, %swap3A_181] {strides = array<i32>} : memref<1x4096xf32, #tpu.memory_space<vmem>>, vector<16xf32>,
        tpu.vector_store %arg10[%swap3A_180, %swap3A_181], %gather3A_178 {strides = array<i32>} : memref<1x4096xf32, #tpu.memory_space<vmem>>, vector<16xf32>,
        %mul3A_183 = arith.constant 8 : i32
        %mul3A_184 = arith.muli %scan3A_110, %mul3A_183 : i32
        %add3A_185 = arith.constant 5 : i32
        %add3A_186 = arith.addi %mul3A_184, %add3A_185 : i32
        %mul3A_187 = arith.constant 16 : i32
        %mul3A_188 = arith.muli %add3A_186, %mul3A_187 : i32
        %get3A_189 = arith.constant 0 : i32
        %get3A_190 = arith.index_cast %get3A_189 : i32 to index
        %get3A_191 = arith.index_cast %mul3A_188 : i32 to index
        %get3A_192 = tpu.vector_load %arg8[%get3A_190, %get3A_191] {strides = array<i32>} : memref<1x4096xi32, #tpu.memory_space<vmem>>, vector<16xi32>,
        %gather3A_193 = tpu.vector_load_idx %arg7[%broadcast_in_dim3A_1, %get3A_192] : memref<1x100000xf32, #tpu.memory_space<vmem>>[vector<16xi32>, vector<16xi32>], vector<16xf32>,
        %swap3A_194 = arith.constant 0 : i32
        %swap3A_195 = arith.index_cast %swap3A_194 : i32 to index
        %swap3A_196 = arith.index_cast %mul3A_188 : i32 to index
        %swap3A_197 = tpu.vector_load %arg10[%swap3A_195, %swap3A_196] {strides = array<i32>} : memref<1x4096xf32, #tpu.memory_space<vmem>>, vector<16xf32>,
        tpu.vector_store %arg10[%swap3A_195, %swap3A_196], %gather3A_193 {strides = array<i32>} : memref<1x4096xf32, #tpu.memory_space<vmem>>, vector<16xf32>,
        %mul3A_198 = arith.constant 8 : i32
        %mul3A_199 = arith.muli %scan3A_110, %mul3A_198 : i32
        %add3A_200 = arith.constant 6 : i32
        %add3A_201 = arith.addi %mul3A_199, %add3A_200 : i32
        %mul3A_202 = arith.constant 16 : i32
        %mul3A_203 = arith.muli %add3A_201, %mul3A_202 : i32
        %get3A_204 = arith.constant 0 : i32
        %get3A_205 = arith.index_cast %get3A_204 : i32 to index
        %get3A_206 = arith.index_cast %mul3A_203 : i32 to index
        %get3A_207 = tpu.vector_load %arg8[%get3A_205, %get3A_206] {strides = array<i32>} : memref<1x4096xi32, #tpu.memory_space<vmem>>, vector<16xi32>,
        %gather3A_208 = tpu.vector_load_idx %arg7[%broadcast_in_dim3A_1, %get3A_207] : memref<1x100000xf32, #tpu.memory_space<vmem>>[vector<16xi32>, vector<16xi32>], vector<16xf32>,
        %swap3A_209 = arith.constant 0 : i32
        %swap3A_210 = arith.index_cast %swap3A_209 : i32 to index
        %swap3A_211 = arith.index_cast %mul3A_203 : i32 to index
        %swap3A_212 = tpu.vector_load %arg10[%swap3A_210, %swap3A_211] {strides = array<i32>} : memref<1x4096xf32, #tpu.memory_space<vmem>>, vector<16xf32>,
        tpu.vector_store %arg10[%swap3A_210, %swap3A_211], %gather3A_208 {strides = array<i32>} : memref<1x4096xf32, #tpu.memory_space<vmem>>, vector<16xf32>,
        %mul3A_213 = arith.constant 8 : i32
        %mul3A_214 = arith.muli %scan3A_110, %mul3A_213 : i32
        %add3A_215 = arith.constant 7 : i32
        %add3A_216 = arith.addi %mul3A_214, %add3A_215 : i32
        %mul3A_217 = arith.constant 16 : i32
        %mul3A_218 = arith.muli %add3A_216, %mul3A_217 : i32
        %get3A_219 = arith.constant 0 : i32
        %get3A_220 = arith.index_cast %get3A_219 : i32 to index
        %get3A_221 = arith.index_cast %mul3A_218 : i32 to index
        %get3A_222 = tpu.vector_load %arg8[%get3A_220, %get3A_221] {strides = array<i32>} : memref<1x4096xi32, #tpu.memory_space<vmem>>, vector<16xi32>,
        %gather3A_223 = tpu.vector_load_idx %arg7[%broadcast_in_dim3A_1, %get3A_222] : memref<1x100000xf32, #tpu.memory_space<vmem>>[vector<16xi32>, vector<16xi32>], vector<16xf32>,
        %swap3A_224 = arith.constant 0 : i32
        %swap3A_225 = arith.index_cast %swap3A_224 : i32 to index
        %swap3A_226 = arith.index_cast %mul3A_218 : i32 to index
        %swap3A_227 = tpu.vector_load %arg10[%swap3A_225, %swap3A_226] {strides = array<i32>} : memref<1x4096xf32, #tpu.memory_space<vmem>>, vector<16xf32>,
        tpu.vector_store %arg10[%swap3A_225, %swap3A_226], %gather3A_223 {strides = array<i32>} : memref<1x4096xf32, #tpu.memory_space<vmem>>, vector<16xf32>,
      }
      %scan3A_39 = arith.constant 32 : i32
      %dma_start3A_40 = arith.constant 8192 : i32
      %dma_start3A_41 = tpu.memref_slice %arg2[%scan3A_9, %dma_start3A_40] : memref<26x16384xi32, #tpu.memory_space<hbm>> -> memref<1x4096xi32, #tpu.memory_space<hbm>>
      %dma_start3A_42 = arith.constant 8192 : i32
      %dma_start3A_43 = tpu.memref_slice %arg2[%scan3A_9, %dma_start3A_42] : memref<26x16384xi32, #tpu.memory_space<hbm>> -> memref<1x4096xi32, #tpu.memory_space<hbm>>
      tpu.enqueue_dma source(%dma_start3A_43 : memref<1x4096xi32, #tpu.memory_space<hbm>>) target(%arg8 : memref<1x4096xi32, #tpu.memory_space<vmem>>) target_semaphore(%arg13 : memref<!tpu.dma_semaphore, #tpu.memory_space<semaphore_mem>>)
      %dma_start3A_44 = arith.constant 0 : i32
      %dma_start3A_45 = tpu.memref_slice %arg5[%add3A_15, %dma_start3A_44] : memref<832x16384xf32, #tpu.memory_space<hbm>> -> memref<1x4096xf32, #tpu.memory_space<hbm>>
      %dma_start3A_46 = arith.constant 0 : i32
      %dma_start3A_47 = tpu.memref_slice %arg5[%add3A_15, %dma_start3A_46] : memref<832x16384xf32, #tpu.memory_space<hbm>> -> memref<1x4096xf32, #tpu.memory_space<hbm>>
      tpu.enqueue_dma source(%arg10 : memref<1x4096xf32, #tpu.memory_space<vmem>>) target(%dma_start3A_47 : memref<1x4096xf32, #tpu.memory_space<hbm>>) target_semaphore(%arg15 : memref<!tpu.dma_semaphore, #tpu.memory_space<semaphore_mem>>)
      %dma_wait3A_48 = arith.constant 4096 : i32
      %dma_wait3A_49 = tpu.memref_slice %arg2[%scan3A_9, %dma_wait3A_48] : memref<26x16384xi32, #tpu.memory_space<hbm>> -> memref<1x4096xi32, #tpu.memory_space<hbm>>
      %dma_wait3A_50 = arith.constant 4096 : i32
      %dma_wait3A_51 = tpu.memref_slice %arg2[%scan3A_9, %dma_wait3A_50] : memref<26x16384xi32, #tpu.memory_space<hbm>> -> memref<1x4096xi32, #tpu.memory_space<hbm>>
      tpu.wait_dma2 semaphore(%arg14 : memref<!tpu.dma_semaphore, #tpu.memory_space<semaphore_mem>>) src(%dma_wait3A_51 : memref<1x4096xi32, #tpu.memory_space<hbm>>) dst(%arg9 : memref<1x4096xi32, #tpu.memory_space<vmem>>)
      %scan3A_52 = arith.constant 0 : i32
      %scan3A_53 = arith.constant 0 : i32
      %scan3A_54 = arith.constant 32 : i32
      %scan3A_55 = arith.addi %scan3A_53, %scan3A_54 : i32
      %scan3A_56 = arith.constant 1 : i32
      scf.for %scan3A_110 = %scan3A_53 to %scan3A_55 step %scan3A_56  : i32 {
        %mul3A_111 = arith.constant 8 : i32
        %mul3A_112 = arith.muli %scan3A_110, %mul3A_111 : i32
        %add3A_113 = arith.constant 0 : i32
        %add3A_114 = arith.addi %mul3A_112, %add3A_113 : i32
        %mul3A_115 = arith.constant 16 : i32
        %mul3A_116 = arith.muli %add3A_114, %mul3A_115 : i32
        %get3A = arith.constant 0 : i32
        %get3A_117 = arith.index_cast %get3A : i32 to index
        %get3A_118 = arith.index_cast %mul3A_116 : i32 to index
        %get3A_119 = tpu.vector_load %arg9[%get3A_117, %get3A_118] {strides = array<i32>} : memref<1x4096xi32, #tpu.memory_space<vmem>>, vector<16xi32>,
        %gather3A = tpu.vector_load_idx %arg7[%broadcast_in_dim3A_1, %get3A_119] : memref<1x100000xf32, #tpu.memory_space<vmem>>[vector<16xi32>, vector<16xi32>], vector<16xf32>,
        %swap3A = arith.constant 0 : i32
        %swap3A_120 = arith.index_cast %swap3A : i32 to index
        %swap3A_121 = arith.index_cast %mul3A_116 : i32 to index
        %swap3A_122 = tpu.vector_load %arg11[%swap3A_120, %swap3A_121] {strides = array<i32>} : memref<1x4096xf32, #tpu.memory_space<vmem>>, vector<16xf32>,
        tpu.vector_store %arg11[%swap3A_120, %swap3A_121], %gather3A {strides = array<i32>} : memref<1x4096xf32, #tpu.memory_space<vmem>>, vector<16xf32>,
        %mul3A_123 = arith.constant 8 : i32
        %mul3A_124 = arith.muli %scan3A_110, %mul3A_123 : i32
        %add3A_125 = arith.constant 1 : i32
        %add3A_126 = arith.addi %mul3A_124, %add3A_125 : i32
        %mul3A_127 = arith.constant 16 : i32
        %mul3A_128 = arith.muli %add3A_126, %mul3A_127 : i32
        %get3A_129 = arith.constant 0 : i32
        %get3A_130 = arith.index_cast %get3A_129 : i32 to index
        %get3A_131 = arith.index_cast %mul3A_128 : i32 to index
        %get3A_132 = tpu.vector_load %arg9[%get3A_130, %get3A_131] {strides = array<i32>} : memref<1x4096xi32, #tpu.memory_space<vmem>>, vector<16xi32>,
        %gather3A_133 = tpu.vector_load_idx %arg7[%broadcast_in_dim3A_1, %get3A_132] : memref<1x100000xf32, #tpu.memory_space<vmem>>[vector<16xi32>, vector<16xi32>], vector<16xf32>,
        %swap3A_134 = arith.constant 0 : i32
        %swap3A_135 = arith.index_cast %swap3A_134 : i32 to index
        %swap3A_136 = arith.index_cast %mul3A_128 : i32 to index
        %swap3A_137 = tpu.vector_load %arg11[%swap3A_135, %swap3A_136] {strides = array<i32>} : memref<1x4096xf32, #tpu.memory_space<vmem>>, vector<16xf32>,
        tpu.vector_store %arg11[%swap3A_135, %swap3A_136], %gather3A_133 {strides = array<i32>} : memref<1x4096xf32, #tpu.memory_space<vmem>>, vector<16xf32>,
        %mul3A_138 = arith.constant 8 : i32
        %mul3A_139 = arith.muli %scan3A_110, %mul3A_138 : i32
        %add3A_140 = arith.constant 2 : i32
        %add3A_141 = arith.addi %mul3A_139, %add3A_140 : i32
        %mul3A_142 = arith.constant 16 : i32
        %mul3A_143 = arith.muli %add3A_141, %mul3A_142 : i32
        %get3A_144 = arith.constant 0 : i32
        %get3A_145 = arith.index_cast %get3A_144 : i32 to index
        %get3A_146 = arith.index_cast %mul3A_143 : i32 to index
        %get3A_147 = tpu.vector_load %arg9[%get3A_145, %get3A_146] {strides = array<i32>} : memref<1x4096xi32, #tpu.memory_space<vmem>>, vector<16xi32>,
        %gather3A_148 = tpu.vector_load_idx %arg7[%broadcast_in_dim3A_1, %get3A_147] : memref<1x100000xf32, #tpu.memory_space<vmem>>[vector<16xi32>, vector<16xi32>], vector<16xf32>,
        %swap3A_149 = arith.constant 0 : i32
        %swap3A_150 = arith.index_cast %swap3A_149 : i32 to index
        %swap3A_151 = arith.index_cast %mul3A_143 : i32 to index
        %swap3A_152 = tpu.vector_load %arg11[%swap3A_150, %swap3A_151] {strides = array<i32>} : memref<1x4096xf32, #tpu.memory_space<vmem>>, vector<16xf32>,
        tpu.vector_store %arg11[%swap3A_150, %swap3A_151], %gather3A_148 {strides = array<i32>} : memref<1x4096xf32, #tpu.memory_space<vmem>>, vector<16xf32>,
        %mul3A_153 = arith.constant 8 : i32
        %mul3A_154 = arith.muli %scan3A_110, %mul3A_153 : i32
        %add3A_155 = arith.constant 3 : i32
        %add3A_156 = arith.addi %mul3A_154, %add3A_155 : i32
        %mul3A_157 = arith.constant 16 : i32
        %mul3A_158 = arith.muli %add3A_156, %mul3A_157 : i32
        %get3A_159 = arith.constant 0 : i32
        %get3A_160 = arith.index_cast %get3A_159 : i32 to index
        %get3A_161 = arith.index_cast %mul3A_158 : i32 to index
        %get3A_162 = tpu.vector_load %arg9[%get3A_160, %get3A_161] {strides = array<i32>} : memref<1x4096xi32, #tpu.memory_space<vmem>>, vector<16xi32>,
        %gather3A_163 = tpu.vector_load_idx %arg7[%broadcast_in_dim3A_1, %get3A_162] : memref<1x100000xf32, #tpu.memory_space<vmem>>[vector<16xi32>, vector<16xi32>], vector<16xf32>,
        %swap3A_164 = arith.constant 0 : i32
        %swap3A_165 = arith.index_cast %swap3A_164 : i32 to index
        %swap3A_166 = arith.index_cast %mul3A_158 : i32 to index
        %swap3A_167 = tpu.vector_load %arg11[%swap3A_165, %swap3A_166] {strides = array<i32>} : memref<1x4096xf32, #tpu.memory_space<vmem>>, vector<16xf32>,
        tpu.vector_store %arg11[%swap3A_165, %swap3A_166], %gather3A_163 {strides = array<i32>} : memref<1x4096xf32, #tpu.memory_space<vmem>>, vector<16xf32>,
        %mul3A_168 = arith.constant 8 : i32
        %mul3A_169 = arith.muli %scan3A_110, %mul3A_168 : i32
        %add3A_170 = arith.constant 4 : i32
        %add3A_171 = arith.addi %mul3A_169, %add3A_170 : i32
        %mul3A_172 = arith.constant 16 : i32
        %mul3A_173 = arith.muli %add3A_171, %mul3A_172 : i32
        %get3A_174 = arith.constant 0 : i32
        %get3A_175 = arith.index_cast %get3A_174 : i32 to index
        %get3A_176 = arith.index_cast %mul3A_173 : i32 to index
        %get3A_177 = tpu.vector_load %arg9[%get3A_175, %get3A_176] {strides = array<i32>} : memref<1x4096xi32, #tpu.memory_space<vmem>>, vector<16xi32>,
        %gather3A_178 = tpu.vector_load_idx %arg7[%broadcast_in_dim3A_1, %get3A_177] : memref<1x100000xf32, #tpu.memory_space<vmem>>[vector<16xi32>, vector<16xi32>], vector<16xf32>,
        %swap3A_179 = arith.constant 0 : i32
        %swap3A_180 = arith.index_cast %swap3A_179 : i32 to index
        %swap3A_181 = arith.index_cast %mul3A_173 : i32 to index
        %swap3A_182 = tpu.vector_load %arg11[%swap3A_180, %swap3A_181] {strides = array<i32>} : memref<1x4096xf32, #tpu.memory_space<vmem>>, vector<16xf32>,
        tpu.vector_store %arg11[%swap3A_180, %swap3A_181], %gather3A_178 {strides = array<i32>} : memref<1x4096xf32, #tpu.memory_space<vmem>>, vector<16xf32>,
        %mul3A_183 = arith.constant 8 : i32
        %mul3A_184 = arith.muli %scan3A_110, %mul3A_183 : i32
        %add3A_185 = arith.constant 5 : i32
        %add3A_186 = arith.addi %mul3A_184, %add3A_185 : i32
        %mul3A_187 = arith.constant 16 : i32
        %mul3A_188 = arith.muli %add3A_186, %mul3A_187 : i32
        %get3A_189 = arith.constant 0 : i32
        %get3A_190 = arith.index_cast %get3A_189 : i32 to index
        %get3A_191 = arith.index_cast %mul3A_188 : i32 to index
        %get3A_192 = tpu.vector_load %arg9[%get3A_190, %get3A_191] {strides = array<i32>} : memref<1x4096xi32, #tpu.memory_space<vmem>>, vector<16xi32>,
        %gather3A_193 = tpu.vector_load_idx %arg7[%broadcast_in_dim3A_1, %get3A_192] : memref<1x100000xf32, #tpu.memory_space<vmem>>[vector<16xi32>, vector<16xi32>], vector<16xf32>,
        %swap3A_194 = arith.constant 0 : i32
        %swap3A_195 = arith.index_cast %swap3A_194 : i32 to index
        %swap3A_196 = arith.index_cast %mul3A_188 : i32 to index
        %swap3A_197 = tpu.vector_load %arg11[%swap3A_195, %swap3A_196] {strides = array<i32>} : memref<1x4096xf32, #tpu.memory_space<vmem>>, vector<16xf32>,
        tpu.vector_store %arg11[%swap3A_195, %swap3A_196], %gather3A_193 {strides = array<i32>} : memref<1x4096xf32, #tpu.memory_space<vmem>>, vector<16xf32>,
        %mul3A_198 = arith.constant 8 : i32
        %mul3A_199 = arith.muli %scan3A_110, %mul3A_198 : i32
        %add3A_200 = arith.constant 6 : i32
        %add3A_201 = arith.addi %mul3A_199, %add3A_200 : i32
        %mul3A_202 = arith.constant 16 : i32
        %mul3A_203 = arith.muli %add3A_201, %mul3A_202 : i32
        %get3A_204 = arith.constant 0 : i32
        %get3A_205 = arith.index_cast %get3A_204 : i32 to index
        %get3A_206 = arith.index_cast %mul3A_203 : i32 to index
        %get3A_207 = tpu.vector_load %arg9[%get3A_205, %get3A_206] {strides = array<i32>} : memref<1x4096xi32, #tpu.memory_space<vmem>>, vector<16xi32>,
        %gather3A_208 = tpu.vector_load_idx %arg7[%broadcast_in_dim3A_1, %get3A_207] : memref<1x100000xf32, #tpu.memory_space<vmem>>[vector<16xi32>, vector<16xi32>], vector<16xf32>,
        %swap3A_209 = arith.constant 0 : i32
        %swap3A_210 = arith.index_cast %swap3A_209 : i32 to index
        %swap3A_211 = arith.index_cast %mul3A_203 : i32 to index
        %swap3A_212 = tpu.vector_load %arg11[%swap3A_210, %swap3A_211] {strides = array<i32>} : memref<1x4096xf32, #tpu.memory_space<vmem>>, vector<16xf32>,
        tpu.vector_store %arg11[%swap3A_210, %swap3A_211], %gather3A_208 {strides = array<i32>} : memref<1x4096xf32, #tpu.memory_space<vmem>>, vector<16xf32>,
        %mul3A_213 = arith.constant 8 : i32
        %mul3A_214 = arith.muli %scan3A_110, %mul3A_213 : i32
        %add3A_215 = arith.constant 7 : i32
        %add3A_216 = arith.addi %mul3A_214, %add3A_215 : i32
        %mul3A_217 = arith.constant 16 : i32
        %mul3A_218 = arith.muli %add3A_216, %mul3A_217 : i32
        %get3A_219 = arith.constant 0 : i32
        %get3A_220 = arith.index_cast %get3A_219 : i32 to index
        %get3A_221 = arith.index_cast %mul3A_218 : i32 to index
        %get3A_222 = tpu.vector_load %arg9[%get3A_220, %get3A_221] {strides = array<i32>} : memref<1x4096xi32, #tpu.memory_space<vmem>>, vector<16xi32>,
        %gather3A_223 = tpu.vector_load_idx %arg7[%broadcast_in_dim3A_1, %get3A_222] : memref<1x100000xf32, #tpu.memory_space<vmem>>[vector<16xi32>, vector<16xi32>], vector<16xf32>,
        %swap3A_224 = arith.constant 0 : i32
        %swap3A_225 = arith.index_cast %swap3A_224 : i32 to index
        %swap3A_226 = arith.index_cast %mul3A_218 : i32 to index
        %swap3A_227 = tpu.vector_load %arg11[%swap3A_225, %swap3A_226] {strides = array<i32>} : memref<1x4096xf32, #tpu.memory_space<vmem>>, vector<16xf32>,
        tpu.vector_store %arg11[%swap3A_225, %swap3A_226], %gather3A_223 {strides = array<i32>} : memref<1x4096xf32, #tpu.memory_space<vmem>>, vector<16xf32>,
      }
      %scan3A_57 = arith.constant 32 : i32
      %dma_start3A_58 = arith.constant 12288 : i32
      %dma_start3A_59 = tpu.memref_slice %arg2[%scan3A_9, %dma_start3A_58] : memref<26x16384xi32, #tpu.memory_space<hbm>> -> memref<1x4096xi32, #tpu.memory_space<hbm>>
      %dma_start3A_60 = arith.constant 12288 : i32
      %dma_start3A_61 = tpu.memref_slice %arg2[%scan3A_9, %dma_start3A_60] : memref<26x16384xi32, #tpu.memory_space<hbm>> -> memref<1x4096xi32, #tpu.memory_space<hbm>>
      tpu.enqueue_dma source(%dma_start3A_61 : memref<1x4096xi32, #tpu.memory_space<hbm>>) target(%arg9 : memref<1x4096xi32, #tpu.memory_space<vmem>>) target_semaphore(%arg14 : memref<!tpu.dma_semaphore, #tpu.memory_space<semaphore_mem>>)
      %dma_start3A_62 = arith.constant 4096 : i32
      %dma_start3A_63 = tpu.memref_slice %arg5[%add3A_15, %dma_start3A_62] : memref<832x16384xf32, #tpu.memory_space<hbm>> -> memref<1x4096xf32, #tpu.memory_space<hbm>>
      %dma_start3A_64 = arith.constant 4096 : i32
      %dma_start3A_65 = tpu.memref_slice %arg5[%add3A_15, %dma_start3A_64] : memref<832x16384xf32, #tpu.memory_space<hbm>> -> memref<1x4096xf32, #tpu.memory_space<hbm>>
      tpu.enqueue_dma source(%arg11 : memref<1x4096xf32, #tpu.memory_space<vmem>>) target(%dma_start3A_65 : memref<1x4096xf32, #tpu.memory_space<hbm>>) target_semaphore(%arg16 : memref<!tpu.dma_semaphore, #tpu.memory_space<semaphore_mem>>)
      %dma_wait3A_66 = arith.constant 8192 : i32
      %dma_wait3A_67 = tpu.memref_slice %arg2[%scan3A_9, %dma_wait3A_66] : memref<26x16384xi32, #tpu.memory_space<hbm>> -> memref<1x4096xi32, #tpu.memory_space<hbm>>
      %dma_wait3A_68 = arith.constant 8192 : i32
      %dma_wait3A_69 = tpu.memref_slice %arg2[%scan3A_9, %dma_wait3A_68] : memref<26x16384xi32, #tpu.memory_space<hbm>> -> memref<1x4096xi32, #tpu.memory_space<hbm>>
      tpu.wait_dma2 semaphore(%arg13 : memref<!tpu.dma_semaphore, #tpu.memory_space<semaphore_mem>>) src(%dma_wait3A_69 : memref<1x4096xi32, #tpu.memory_space<hbm>>) dst(%arg8 : memref<1x4096xi32, #tpu.memory_space<vmem>>)
      %dma_wait3A_70 = arith.constant 0 : i32
      %dma_wait3A_71 = tpu.memref_slice %arg5[%add3A_15, %dma_wait3A_70] : memref<832x16384xf32, #tpu.memory_space<hbm>> -> memref<1x4096xf32, #tpu.memory_space<hbm>>
      %dma_wait3A_72 = arith.constant 0 : i32
      %dma_wait3A_73 = tpu.memref_slice %arg5[%add3A_15, %dma_wait3A_72] : memref<832x16384xf32, #tpu.memory_space<hbm>> -> memref<1x4096xf32, #tpu.memory_space<hbm>>
      tpu.wait_dma2 semaphore(%arg15 : memref<!tpu.dma_semaphore, #tpu.memory_space<semaphore_mem>>) src(%arg10 : memref<1x4096xf32, #tpu.memory_space<vmem>>) dst(%dma_wait3A_73 : memref<1x4096xf32, #tpu.memory_space<hbm>>)
      %scan3A_74 = arith.constant 0 : i32
      %scan3A_75 = arith.constant 0 : i32
      %scan3A_76 = arith.constant 32 : i32
      %scan3A_77 = arith.addi %scan3A_75, %scan3A_76 : i32
      %scan3A_78 = arith.constant 1 : i32
      scf.for %scan3A_110 = %scan3A_75 to %scan3A_77 step %scan3A_78  : i32 {
        %mul3A_111 = arith.constant 8 : i32
        %mul3A_112 = arith.muli %scan3A_110, %mul3A_111 : i32
        %add3A_113 = arith.constant 0 : i32
        %add3A_114 = arith.addi %mul3A_112, %add3A_113 : i32
        %mul3A_115 = arith.constant 16 : i32
        %mul3A_116 = arith.muli %add3A_114, %mul3A_115 : i32
        %get3A = arith.constant 0 : i32
        %get3A_117 = arith.index_cast %get3A : i32 to index
        %get3A_118 = arith.index_cast %mul3A_116 : i32 to index
        %get3A_119 = tpu.vector_load %arg8[%get3A_117, %get3A_118] {strides = array<i32>} : memref<1x4096xi32, #tpu.memory_space<vmem>>, vector<16xi32>,
        %gather3A = tpu.vector_load_idx %arg7[%broadcast_in_dim3A_1, %get3A_119] : memref<1x100000xf32, #tpu.memory_space<vmem>>[vector<16xi32>, vector<16xi32>], vector<16xf32>,
        %swap3A = arith.constant 0 : i32
        %swap3A_120 = arith.index_cast %swap3A : i32 to index
        %swap3A_121 = arith.index_cast %mul3A_116 : i32 to index
        %swap3A_122 = tpu.vector_load %arg10[%swap3A_120, %swap3A_121] {strides = array<i32>} : memref<1x4096xf32, #tpu.memory_space<vmem>>, vector<16xf32>,
        tpu.vector_store %arg10[%swap3A_120, %swap3A_121], %gather3A {strides = array<i32>} : memref<1x4096xf32, #tpu.memory_space<vmem>>, vector<16xf32>,
        %mul3A_123 = arith.constant 8 : i32
        %mul3A_124 = arith.muli %scan3A_110, %mul3A_123 : i32
        %add3A_125 = arith.constant 1 : i32
        %add3A_126 = arith.addi %mul3A_124, %add3A_125 : i32
        %mul3A_127 = arith.constant 16 : i32
        %mul3A_128 = arith.muli %add3A_126, %mul3A_127 : i32
        %get3A_129 = arith.constant 0 : i32
        %get3A_130 = arith.index_cast %get3A_129 : i32 to index
        %get3A_131 = arith.index_cast %mul3A_128 : i32 to index
        %get3A_132 = tpu.vector_load %arg8[%get3A_130, %get3A_131] {strides = array<i32>} : memref<1x4096xi32, #tpu.memory_space<vmem>>, vector<16xi32>,
        %gather3A_133 = tpu.vector_load_idx %arg7[%broadcast_in_dim3A_1, %get3A_132] : memref<1x100000xf32, #tpu.memory_space<vmem>>[vector<16xi32>, vector<16xi32>], vector<16xf32>,
        %swap3A_134 = arith.constant 0 : i32
        %swap3A_135 = arith.index_cast %swap3A_134 : i32 to index
        %swap3A_136 = arith.index_cast %mul3A_128 : i32 to index
        %swap3A_137 = tpu.vector_load %arg10[%swap3A_135, %swap3A_136] {strides = array<i32>} : memref<1x4096xf32, #tpu.memory_space<vmem>>, vector<16xf32>,
        tpu.vector_store %arg10[%swap3A_135, %swap3A_136], %gather3A_133 {strides = array<i32>} : memref<1x4096xf32, #tpu.memory_space<vmem>>, vector<16xf32>,
        %mul3A_138 = arith.constant 8 : i32
        %mul3A_139 = arith.muli %scan3A_110, %mul3A_138 : i32
        %add3A_140 = arith.constant 2 : i32
        %add3A_141 = arith.addi %mul3A_139, %add3A_140 : i32
        %mul3A_142 = arith.constant 16 : i32
        %mul3A_143 = arith.muli %add3A_141, %mul3A_142 : i32
        %get3A_144 = arith.constant 0 : i32
        %get3A_145 = arith.index_cast %get3A_144 : i32 to index
        %get3A_146 = arith.index_cast %mul3A_143 : i32 to index
        %get3A_147 = tpu.vector_load %arg8[%get3A_145, %get3A_146] {strides = array<i32>} : memref<1x4096xi32, #tpu.memory_space<vmem>>, vector<16xi32>,
        %gather3A_148 = tpu.vector_load_idx %arg7[%broadcast_in_dim3A_1, %get3A_147] : memref<1x100000xf32, #tpu.memory_space<vmem>>[vector<16xi32>, vector<16xi32>], vector<16xf32>,
        %swap3A_149 = arith.constant 0 : i32
        %swap3A_150 = arith.index_cast %swap3A_149 : i32 to index
        %swap3A_151 = arith.index_cast %mul3A_143 : i32 to index
        %swap3A_152 = tpu.vector_load %arg10[%swap3A_150, %swap3A_151] {strides = array<i32>} : memref<1x4096xf32, #tpu.memory_space<vmem>>, vector<16xf32>,
        tpu.vector_store %arg10[%swap3A_150, %swap3A_151], %gather3A_148 {strides = array<i32>} : memref<1x4096xf32, #tpu.memory_space<vmem>>, vector<16xf32>,
        %mul3A_153 = arith.constant 8 : i32
        %mul3A_154 = arith.muli %scan3A_110, %mul3A_153 : i32
        %add3A_155 = arith.constant 3 : i32
        %add3A_156 = arith.addi %mul3A_154, %add3A_155 : i32
        %mul3A_157 = arith.constant 16 : i32
        %mul3A_158 = arith.muli %add3A_156, %mul3A_157 : i32
        %get3A_159 = arith.constant 0 : i32
        %get3A_160 = arith.index_cast %get3A_159 : i32 to index
        %get3A_161 = arith.index_cast %mul3A_158 : i32 to index
        %get3A_162 = tpu.vector_load %arg8[%get3A_160, %get3A_161] {strides = array<i32>} : memref<1x4096xi32, #tpu.memory_space<vmem>>, vector<16xi32>,
        %gather3A_163 = tpu.vector_load_idx %arg7[%broadcast_in_dim3A_1, %get3A_162] : memref<1x100000xf32, #tpu.memory_space<vmem>>[vector<16xi32>, vector<16xi32>], vector<16xf32>,
        %swap3A_164 = arith.constant 0 : i32
        %swap3A_165 = arith.index_cast %swap3A_164 : i32 to index
        %swap3A_166 = arith.index_cast %mul3A_158 : i32 to index
        %swap3A_167 = tpu.vector_load %arg10[%swap3A_165, %swap3A_166] {strides = array<i32>} : memref<1x4096xf32, #tpu.memory_space<vmem>>, vector<16xf32>,
        tpu.vector_store %arg10[%swap3A_165, %swap3A_166], %gather3A_163 {strides = array<i32>} : memref<1x4096xf32, #tpu.memory_space<vmem>>, vector<16xf32>,
        %mul3A_168 = arith.constant 8 : i32
        %mul3A_169 = arith.muli %scan3A_110, %mul3A_168 : i32
        %add3A_170 = arith.constant 4 : i32
        %add3A_171 = arith.addi %mul3A_169, %add3A_170 : i32
        %mul3A_172 = arith.constant 16 : i32
        %mul3A_173 = arith.muli %add3A_171, %mul3A_172 : i32
        %get3A_174 = arith.constant 0 : i32
        %get3A_175 = arith.index_cast %get3A_174 : i32 to index
        %get3A_176 = arith.index_cast %mul3A_173 : i32 to index
        %get3A_177 = tpu.vector_load %arg8[%get3A_175, %get3A_176] {strides = array<i32>} : memref<1x4096xi32, #tpu.memory_space<vmem>>, vector<16xi32>,
        %gather3A_178 = tpu.vector_load_idx %arg7[%broadcast_in_dim3A_1, %get3A_177] : memref<1x100000xf32, #tpu.memory_space<vmem>>[vector<16xi32>, vector<16xi32>], vector<16xf32>,
        %swap3A_179 = arith.constant 0 : i32
        %swap3A_180 = arith.index_cast %swap3A_179 : i32 to index
        %swap3A_181 = arith.index_cast %mul3A_173 : i32 to index
        %swap3A_182 = tpu.vector_load %arg10[%swap3A_180, %swap3A_181] {strides = array<i32>} : memref<1x4096xf32, #tpu.memory_space<vmem>>, vector<16xf32>,
        tpu.vector_store %arg10[%swap3A_180, %swap3A_181], %gather3A_178 {strides = array<i32>} : memref<1x4096xf32, #tpu.memory_space<vmem>>, vector<16xf32>,
        %mul3A_183 = arith.constant 8 : i32
        %mul3A_184 = arith.muli %scan3A_110, %mul3A_183 : i32
        %add3A_185 = arith.constant 5 : i32
        %add3A_186 = arith.addi %mul3A_184, %add3A_185 : i32
        %mul3A_187 = arith.constant 16 : i32
        %mul3A_188 = arith.muli %add3A_186, %mul3A_187 : i32
        %get3A_189 = arith.constant 0 : i32
        %get3A_190 = arith.index_cast %get3A_189 : i32 to index
        %get3A_191 = arith.index_cast %mul3A_188 : i32 to index
        %get3A_192 = tpu.vector_load %arg8[%get3A_190, %get3A_191] {strides = array<i32>} : memref<1x4096xi32, #tpu.memory_space<vmem>>, vector<16xi32>,
        %gather3A_193 = tpu.vector_load_idx %arg7[%broadcast_in_dim3A_1, %get3A_192] : memref<1x100000xf32, #tpu.memory_space<vmem>>[vector<16xi32>, vector<16xi32>], vector<16xf32>,
        %swap3A_194 = arith.constant 0 : i32
        %swap3A_195 = arith.index_cast %swap3A_194 : i32 to index
        %swap3A_196 = arith.index_cast %mul3A_188 : i32 to index
        %swap3A_197 = tpu.vector_load %arg10[%swap3A_195, %swap3A_196] {strides = array<i32>} : memref<1x4096xf32, #tpu.memory_space<vmem>>, vector<16xf32>,
        tpu.vector_store %arg10[%swap3A_195, %swap3A_196], %gather3A_193 {strides = array<i32>} : memref<1x4096xf32, #tpu.memory_space<vmem>>, vector<16xf32>,
        %mul3A_198 = arith.constant 8 : i32
        %mul3A_199 = arith.muli %scan3A_110, %mul3A_198 : i32
        %add3A_200 = arith.constant 6 : i32
        %add3A_201 = arith.addi %mul3A_199, %add3A_200 : i32
        %mul3A_202 = arith.constant 16 : i32
        %mul3A_203 = arith.muli %add3A_201, %mul3A_202 : i32
        %get3A_204 = arith.constant 0 : i32
        %get3A_205 = arith.index_cast %get3A_204 : i32 to index
        %get3A_206 = arith.index_cast %mul3A_203 : i32 to index
        %get3A_207 = tpu.vector_load %arg8[%get3A_205, %get3A_206] {strides = array<i32>} : memref<1x4096xi32, #tpu.memory_space<vmem>>, vector<16xi32>,
        %gather3A_208 = tpu.vector_load_idx %arg7[%broadcast_in_dim3A_1, %get3A_207] : memref<1x100000xf32, #tpu.memory_space<vmem>>[vector<16xi32>, vector<16xi32>], vector<16xf32>,
        %swap3A_209 = arith.constant 0 : i32
        %swap3A_210 = arith.index_cast %swap3A_209 : i32 to index
        %swap3A_211 = arith.index_cast %mul3A_203 : i32 to index
        %swap3A_212 = tpu.vector_load %arg10[%swap3A_210, %swap3A_211] {strides = array<i32>} : memref<1x4096xf32, #tpu.memory_space<vmem>>, vector<16xf32>,
        tpu.vector_store %arg10[%swap3A_210, %swap3A_211], %gather3A_208 {strides = array<i32>} : memref<1x4096xf32, #tpu.memory_space<vmem>>, vector<16xf32>,
        %mul3A_213 = arith.constant 8 : i32
        %mul3A_214 = arith.muli %scan3A_110, %mul3A_213 : i32
        %add3A_215 = arith.constant 7 : i32
        %add3A_216 = arith.addi %mul3A_214, %add3A_215 : i32
        %mul3A_217 = arith.constant 16 : i32
        %mul3A_218 = arith.muli %add3A_216, %mul3A_217 : i32
        %get3A_219 = arith.constant 0 : i32
        %get3A_220 = arith.index_cast %get3A_219 : i32 to index
        %get3A_221 = arith.index_cast %mul3A_218 : i32 to index
        %get3A_222 = tpu.vector_load %arg8[%get3A_220, %get3A_221] {strides = array<i32>} : memref<1x4096xi32, #tpu.memory_space<vmem>>, vector<16xi32>,
        %gather3A_223 = tpu.vector_load_idx %arg7[%broadcast_in_dim3A_1, %get3A_222] : memref<1x100000xf32, #tpu.memory_space<vmem>>[vector<16xi32>, vector<16xi32>], vector<16xf32>,
        %swap3A_224 = arith.constant 0 : i32
        %swap3A_225 = arith.index_cast %swap3A_224 : i32 to index
        %swap3A_226 = arith.index_cast %mul3A_218 : i32 to index
        %swap3A_227 = tpu.vector_load %arg10[%swap3A_225, %swap3A_226] {strides = array<i32>} : memref<1x4096xf32, #tpu.memory_space<vmem>>, vector<16xf32>,
        tpu.vector_store %arg10[%swap3A_225, %swap3A_226], %gather3A_223 {strides = array<i32>} : memref<1x4096xf32, #tpu.memory_space<vmem>>, vector<16xf32>,
      }
      %scan3A_79 = arith.constant 32 : i32
      %dma_start3A_80 = arith.constant 8192 : i32
      %dma_start3A_81 = tpu.memref_slice %arg5[%add3A_15, %dma_start3A_80] : memref<832x16384xf32, #tpu.memory_space<hbm>> -> memref<1x4096xf32, #tpu.memory_space<hbm>>
      %dma_start3A_82 = arith.constant 8192 : i32
      %dma_start3A_83 = tpu.memref_slice %arg5[%add3A_15, %dma_start3A_82] : memref<832x16384xf32, #tpu.memory_space<hbm>> -> memref<1x4096xf32, #tpu.memory_space<hbm>>
      tpu.enqueue_dma source(%arg10 : memref<1x4096xf32, #tpu.memory_space<vmem>>) target(%dma_start3A_83 : memref<1x4096xf32, #tpu.memory_space<hbm>>) target_semaphore(%arg15 : memref<!tpu.dma_semaphore, #tpu.memory_space<semaphore_mem>>)
      %dma_wait3A_84 = arith.constant 12288 : i32
      %dma_wait3A_85 = tpu.memref_slice %arg2[%scan3A_9, %dma_wait3A_84] : memref<26x16384xi32, #tpu.memory_space<hbm>> -> memref<1x4096xi32, #tpu.memory_space<hbm>>
      %dma_wait3A_86 = arith.constant 12288 : i32
      %dma_wait3A_87 = tpu.memref_slice %arg2[%scan3A_9, %dma_wait3A_86] : memref<26x16384xi32, #tpu.memory_space<hbm>> -> memref<1x4096xi32, #tpu.memory_space<hbm>>
      tpu.wait_dma2 semaphore(%arg14 : memref<!tpu.dma_semaphore, #tpu.memory_space<semaphore_mem>>) src(%dma_wait3A_87 : memref<1x4096xi32, #tpu.memory_space<hbm>>) dst(%arg9 : memref<1x4096xi32, #tpu.memory_space<vmem>>)
      %dma_wait3A_88 = arith.constant 4096 : i32
      %dma_wait3A_89 = tpu.memref_slice %arg5[%add3A_15, %dma_wait3A_88] : memref<832x16384xf32, #tpu.memory_space<hbm>> -> memref<1x4096xf32, #tpu.memory_space<hbm>>
      %dma_wait3A_90 = arith.constant 4096 : i32
      %dma_wait3A_91 = tpu.memref_slice %arg5[%add3A_15, %dma_wait3A_90] : memref<832x16384xf32, #tpu.memory_space<hbm>> -> memref<1x4096xf32, #tpu.memory_space<hbm>>
      tpu.wait_dma2 semaphore(%arg16 : memref<!tpu.dma_semaphore, #tpu.memory_space<semaphore_mem>>) src(%arg11 : memref<1x4096xf32, #tpu.memory_space<vmem>>) dst(%dma_wait3A_91 : memref<1x4096xf32, #tpu.memory_space<hbm>>)
      %scan3A_92 = arith.constant 0 : i32
      %scan3A_93 = arith.constant 0 : i32
      %scan3A_94 = arith.constant 32 : i32
      %scan3A_95 = arith.addi %scan3A_93, %scan3A_94 : i32
      %scan3A_96 = arith.constant 1 : i32
      scf.for %scan3A_110 = %scan3A_93 to %scan3A_95 step %scan3A_96  : i32 {
        %mul3A_111 = arith.constant 8 : i32
        %mul3A_112 = arith.muli %scan3A_110, %mul3A_111 : i32
        %add3A_113 = arith.constant 0 : i32
        %add3A_114 = arith.addi %mul3A_112, %add3A_113 : i32
        %mul3A_115 = arith.constant 16 : i32
        %mul3A_116 = arith.muli %add3A_114, %mul3A_115 : i32
        %get3A = arith.constant 0 : i32
        %get3A_117 = arith.index_cast %get3A : i32 to index
        %get3A_118 = arith.index_cast %mul3A_116 : i32 to index
        %get3A_119 = tpu.vector_load %arg9[%get3A_117, %get3A_118] {strides = array<i32>} : memref<1x4096xi32, #tpu.memory_space<vmem>>, vector<16xi32>,
        %gather3A = tpu.vector_load_idx %arg7[%broadcast_in_dim3A_1, %get3A_119] : memref<1x100000xf32, #tpu.memory_space<vmem>>[vector<16xi32>, vector<16xi32>], vector<16xf32>,
        %swap3A = arith.constant 0 : i32
        %swap3A_120 = arith.index_cast %swap3A : i32 to index
        %swap3A_121 = arith.index_cast %mul3A_116 : i32 to index
        %swap3A_122 = tpu.vector_load %arg11[%swap3A_120, %swap3A_121] {strides = array<i32>} : memref<1x4096xf32, #tpu.memory_space<vmem>>, vector<16xf32>,
        tpu.vector_store %arg11[%swap3A_120, %swap3A_121], %gather3A {strides = array<i32>} : memref<1x4096xf32, #tpu.memory_space<vmem>>, vector<16xf32>,
        %mul3A_123 = arith.constant 8 : i32
        %mul3A_124 = arith.muli %scan3A_110, %mul3A_123 : i32
        %add3A_125 = arith.constant 1 : i32
        %add3A_126 = arith.addi %mul3A_124, %add3A_125 : i32
        %mul3A_127 = arith.constant 16 : i32
        %mul3A_128 = arith.muli %add3A_126, %mul3A_127 : i32
        %get3A_129 = arith.constant 0 : i32
        %get3A_130 = arith.index_cast %get3A_129 : i32 to index
        %get3A_131 = arith.index_cast %mul3A_128 : i32 to index
        %get3A_132 = tpu.vector_load %arg9[%get3A_130, %get3A_131] {strides = array<i32>} : memref<1x4096xi32, #tpu.memory_space<vmem>>, vector<16xi32>,
        %gather3A_133 = tpu.vector_load_idx %arg7[%broadcast_in_dim3A_1, %get3A_132] : memref<1x100000xf32, #tpu.memory_space<vmem>>[vector<16xi32>, vector<16xi32>], vector<16xf32>,
        %swap3A_134 = arith.constant 0 : i32
        %swap3A_135 = arith.index_cast %swap3A_134 : i32 to index
        %swap3A_136 = arith.index_cast %mul3A_128 : i32 to index
        %swap3A_137 = tpu.vector_load %arg11[%swap3A_135, %swap3A_136] {strides = array<i32>} : memref<1x4096xf32, #tpu.memory_space<vmem>>, vector<16xf32>,
        tpu.vector_store %arg11[%swap3A_135, %swap3A_136], %gather3A_133 {strides = array<i32>} : memref<1x4096xf32, #tpu.memory_space<vmem>>, vector<16xf32>,
        %mul3A_138 = arith.constant 8 : i32
        %mul3A_139 = arith.muli %scan3A_110, %mul3A_138 : i32
        %add3A_140 = arith.constant 2 : i32
        %add3A_141 = arith.addi %mul3A_139, %add3A_140 : i32
        %mul3A_142 = arith.constant 16 : i32
        %mul3A_143 = arith.muli %add3A_141, %mul3A_142 : i32
        %get3A_144 = arith.constant 0 : i32
        %get3A_145 = arith.index_cast %get3A_144 : i32 to index
        %get3A_146 = arith.index_cast %mul3A_143 : i32 to index
        %get3A_147 = tpu.vector_load %arg9[%get3A_145, %get3A_146] {strides = array<i32>} : memref<1x4096xi32, #tpu.memory_space<vmem>>, vector<16xi32>,
        %gather3A_148 = tpu.vector_load_idx %arg7[%broadcast_in_dim3A_1, %get3A_147] : memref<1x100000xf32, #tpu.memory_space<vmem>>[vector<16xi32>, vector<16xi32>], vector<16xf32>,
        %swap3A_149 = arith.constant 0 : i32
        %swap3A_150 = arith.index_cast %swap3A_149 : i32 to index
        %swap3A_151 = arith.index_cast %mul3A_143 : i32 to index
        %swap3A_152 = tpu.vector_load %arg11[%swap3A_150, %swap3A_151] {strides = array<i32>} : memref<1x4096xf32, #tpu.memory_space<vmem>>, vector<16xf32>,
        tpu.vector_store %arg11[%swap3A_150, %swap3A_151], %gather3A_148 {strides = array<i32>} : memref<1x4096xf32, #tpu.memory_space<vmem>>, vector<16xf32>,
        %mul3A_153 = arith.constant 8 : i32
        %mul3A_154 = arith.muli %scan3A_110, %mul3A_153 : i32
        %add3A_155 = arith.constant 3 : i32
        %add3A_156 = arith.addi %mul3A_154, %add3A_155 : i32
        %mul3A_157 = arith.constant 16 : i32
        %mul3A_158 = arith.muli %add3A_156, %mul3A_157 : i32
        %get3A_159 = arith.constant 0 : i32
        %get3A_160 = arith.index_cast %get3A_159 : i32 to index
        %get3A_161 = arith.index_cast %mul3A_158 : i32 to index
        %get3A_162 = tpu.vector_load %arg9[%get3A_160, %get3A_161] {strides = array<i32>} : memref<1x4096xi32, #tpu.memory_space<vmem>>, vector<16xi32>,
        %gather3A_163 = tpu.vector_load_idx %arg7[%broadcast_in_dim3A_1, %get3A_162] : memref<1x100000xf32, #tpu.memory_space<vmem>>[vector<16xi32>, vector<16xi32>], vector<16xf32>,
        %swap3A_164 = arith.constant 0 : i32
        %swap3A_165 = arith.index_cast %swap3A_164 : i32 to index
        %swap3A_166 = arith.index_cast %mul3A_158 : i32 to index
        %swap3A_167 = tpu.vector_load %arg11[%swap3A_165, %swap3A_166] {strides = array<i32>} : memref<1x4096xf32, #tpu.memory_space<vmem>>, vector<16xf32>,
        tpu.vector_store %arg11[%swap3A_165, %swap3A_166], %gather3A_163 {strides = array<i32>} : memref<1x4096xf32, #tpu.memory_space<vmem>>, vector<16xf32>,
        %mul3A_168 = arith.constant 8 : i32
        %mul3A_169 = arith.muli %scan3A_110, %mul3A_168 : i32
        %add3A_170 = arith.constant 4 : i32
        %add3A_171 = arith.addi %mul3A_169, %add3A_170 : i32
        %mul3A_172 = arith.constant 16 : i32
        %mul3A_173 = arith.muli %add3A_171, %mul3A_172 : i32
        %get3A_174 = arith.constant 0 : i32
        %get3A_175 = arith.index_cast %get3A_174 : i32 to index
        %get3A_176 = arith.index_cast %mul3A_173 : i32 to index
        %get3A_177 = tpu.vector_load %arg9[%get3A_175, %get3A_176] {strides = array<i32>} : memref<1x4096xi32, #tpu.memory_space<vmem>>, vector<16xi32>,
        %gather3A_178 = tpu.vector_load_idx %arg7[%broadcast_in_dim3A_1, %get3A_177] : memref<1x100000xf32, #tpu.memory_space<vmem>>[vector<16xi32>, vector<16xi32>], vector<16xf32>,
        %swap3A_179 = arith.constant 0 : i32
        %swap3A_180 = arith.index_cast %swap3A_179 : i32 to index
        %swap3A_181 = arith.index_cast %mul3A_173 : i32 to index
        %swap3A_182 = tpu.vector_load %arg11[%swap3A_180, %swap3A_181] {strides = array<i32>} : memref<1x4096xf32, #tpu.memory_space<vmem>>, vector<16xf32>,
        tpu.vector_store %arg11[%swap3A_180, %swap3A_181], %gather3A_178 {strides = array<i32>} : memref<1x4096xf32, #tpu.memory_space<vmem>>, vector<16xf32>,
        %mul3A_183 = arith.constant 8 : i32
        %mul3A_184 = arith.muli %scan3A_110, %mul3A_183 : i32
        %add3A_185 = arith.constant 5 : i32
        %add3A_186 = arith.addi %mul3A_184, %add3A_185 : i32
        %mul3A_187 = arith.constant 16 : i32
        %mul3A_188 = arith.muli %add3A_186, %mul3A_187 : i32
        %get3A_189 = arith.constant 0 : i32
        %get3A_190 = arith.index_cast %get3A_189 : i32 to index
        %get3A_191 = arith.index_cast %mul3A_188 : i32 to index
        %get3A_192 = tpu.vector_load %arg9[%get3A_190, %get3A_191] {strides = array<i32>} : memref<1x4096xi32, #tpu.memory_space<vmem>>, vector<16xi32>,
        %gather3A_193 = tpu.vector_load_idx %arg7[%broadcast_in_dim3A_1, %get3A_192] : memref<1x100000xf32, #tpu.memory_space<vmem>>[vector<16xi32>, vector<16xi32>], vector<16xf32>,
        %swap3A_194 = arith.constant 0 : i32
        %swap3A_195 = arith.index_cast %swap3A_194 : i32 to index
        %swap3A_196 = arith.index_cast %mul3A_188 : i32 to index
        %swap3A_197 = tpu.vector_load %arg11[%swap3A_195, %swap3A_196] {strides = array<i32>} : memref<1x4096xf32, #tpu.memory_space<vmem>>, vector<16xf32>,
        tpu.vector_store %arg11[%swap3A_195, %swap3A_196], %gather3A_193 {strides = array<i32>} : memref<1x4096xf32, #tpu.memory_space<vmem>>, vector<16xf32>,
        %mul3A_198 = arith.constant 8 : i32
        %mul3A_199 = arith.muli %scan3A_110, %mul3A_198 : i32
        %add3A_200 = arith.constant 6 : i32
        %add3A_201 = arith.addi %mul3A_199, %add3A_200 : i32
        %mul3A_202 = arith.constant 16 : i32
        %mul3A_203 = arith.muli %add3A_201, %mul3A_202 : i32
        %get3A_204 = arith.constant 0 : i32
        %get3A_205 = arith.index_cast %get3A_204 : i32 to index
        %get3A_206 = arith.index_cast %mul3A_203 : i32 to index
        %get3A_207 = tpu.vector_load %arg9[%get3A_205, %get3A_206] {strides = array<i32>} : memref<1x4096xi32, #tpu.memory_space<vmem>>, vector<16xi32>,
        %gather3A_208 = tpu.vector_load_idx %arg7[%broadcast_in_dim3A_1, %get3A_207] : memref<1x100000xf32, #tpu.memory_space<vmem>>[vector<16xi32>, vector<16xi32>], vector<16xf32>,
        %swap3A_209 = arith.constant 0 : i32
        %swap3A_210 = arith.index_cast %swap3A_209 : i32 to index
        %swap3A_211 = arith.index_cast %mul3A_203 : i32 to index
        %swap3A_212 = tpu.vector_load %arg11[%swap3A_210, %swap3A_211] {strides = array<i32>} : memref<1x4096xf32, #tpu.memory_space<vmem>>, vector<16xf32>,
        tpu.vector_store %arg11[%swap3A_210, %swap3A_211], %gather3A_208 {strides = array<i32>} : memref<1x4096xf32, #tpu.memory_space<vmem>>, vector<16xf32>,
        %mul3A_213 = arith.constant 8 : i32
        %mul3A_214 = arith.muli %scan3A_110, %mul3A_213 : i32
        %add3A_215 = arith.constant 7 : i32
        %add3A_216 = arith.addi %mul3A_214, %add3A_215 : i32
        %mul3A_217 = arith.constant 16 : i32
        %mul3A_218 = arith.muli %add3A_216, %mul3A_217 : i32
        %get3A_219 = arith.constant 0 : i32
        %get3A_220 = arith.index_cast %get3A_219 : i32 to index
        %get3A_221 = arith.index_cast %mul3A_218 : i32 to index
        %get3A_222 = tpu.vector_load %arg9[%get3A_220, %get3A_221] {strides = array<i32>} : memref<1x4096xi32, #tpu.memory_space<vmem>>, vector<16xi32>,
        %gather3A_223 = tpu.vector_load_idx %arg7[%broadcast_in_dim3A_1, %get3A_222] : memref<1x100000xf32, #tpu.memory_space<vmem>>[vector<16xi32>, vector<16xi32>], vector<16xf32>,
        %swap3A_224 = arith.constant 0 : i32
        %swap3A_225 = arith.index_cast %swap3A_224 : i32 to index
        %swap3A_226 = arith.index_cast %mul3A_218 : i32 to index
        %swap3A_227 = tpu.vector_load %arg11[%swap3A_225, %swap3A_226] {strides = array<i32>} : memref<1x4096xf32, #tpu.memory_space<vmem>>, vector<16xf32>,
        tpu.vector_store %arg11[%swap3A_225, %swap3A_226], %gather3A_223 {strides = array<i32>} : memref<1x4096xf32, #tpu.memory_space<vmem>>, vector<16xf32>,
      }
      %scan3A_97 = arith.constant 32 : i32
      %dma_start3A_98 = arith.constant 12288 : i32
      %dma_start3A_99 = tpu.memref_slice %arg5[%add3A_15, %dma_start3A_98] : memref<832x16384xf32, #tpu.memory_space<hbm>> -> memref<1x4096xf32, #tpu.memory_space<hbm>>
      %dma_start3A_100 = arith.constant 12288 : i32
      %dma_start3A_101 = tpu.memref_slice %arg5[%add3A_15, %dma_start3A_100] : memref<832x16384xf32, #tpu.memory_space<hbm>> -> memref<1x4096xf32, #tpu.memory_space<hbm>>
      tpu.enqueue_dma source(%arg11 : memref<1x4096xf32, #tpu.memory_space<vmem>>) target(%dma_start3A_101 : memref<1x4096xf32, #tpu.memory_space<hbm>>) target_semaphore(%arg16 : memref<!tpu.dma_semaphore, #tpu.memory_space<semaphore_mem>>)
      %dma_wait3A_102 = arith.constant 8192 : i32
      %dma_wait3A_103 = tpu.memref_slice %arg5[%add3A_15, %dma_wait3A_102] : memref<832x16384xf32, #tpu.memory_space<hbm>> -> memref<1x4096xf32, #tpu.memory_space<hbm>>
      %dma_wait3A_104 = arith.constant 8192 : i32
      %dma_wait3A_105 = tpu.memref_slice %arg5[%add3A_15, %dma_wait3A_104] : memref<832x16384xf32, #tpu.memory_space<hbm>> -> memref<1x4096xf32, #tpu.memory_space<hbm>>
      tpu.wait_dma2 semaphore(%arg15 : memref<!tpu.dma_semaphore, #tpu.memory_space<semaphore_mem>>) src(%arg10 : memref<1x4096xf32, #tpu.memory_space<vmem>>) dst(%dma_wait3A_105 : memref<1x4096xf32, #tpu.memory_space<hbm>>)
      %dma_wait3A_106 = arith.constant 12288 : i32
      %dma_wait3A_107 = tpu.memref_slice %arg5[%add3A_15, %dma_wait3A_106] : memref<832x16384xf32, #tpu.memory_space<hbm>> -> memref<1x4096xf32, #tpu.memory_space<hbm>>
      %dma_wait3A_108 = arith.constant 12288 : i32
      %dma_wait3A_109 = tpu.memref_slice %arg5[%add3A_15, %dma_wait3A_108] : memref<832x16384xf32, #tpu.memory_space<hbm>> -> memref<1x4096xf32, #tpu.memory_space<hbm>>
      tpu.wait_dma2 semaphore(%arg16 : memref<!tpu.dma_semaphore, #tpu.memory_space<semaphore_mem>>) src(%arg11 : memref<1x4096xf32, #tpu.memory_space<vmem>>) dst(%dma_wait3A_109 : memref<1x4096xf32, #tpu.memory_space<hbm>>)
    }
    %scan3A_6 = arith.constant 26 : i32
    %lt3A = arith.constant 26 : i32
    %lt3A_7 = arith.cmpi slt, %add3A, %lt3A : i32
    %convert_element_type3A = arith.extui %lt3A_7 : i1 to i32
    %cond3A = arith.constant 0 : i32
    %cond3A_8 = arith.cmpi ne, %convert_element_type3A, %cond3A : i32
    scf.if %cond3A_8 {
      %dma_start3A = arith.constant 0 : i32
      %dma_start3A_9 = tpu.memref_slice %arg4[%add3A, %dma_start3A] : memref<26x100000xf32, #tpu.memory_space<hbm>> -> memref<1x100000xf32, #tpu.memory_space<hbm>>
      %dma_start3A_10 = arith.constant 0 : i32
      %dma_start3A_11 = tpu.memref_slice %arg4[%add3A, %dma_start3A_10] : memref<26x100000xf32, #tpu.memory_space<hbm>> -> memref<1x100000xf32, #tpu.memory_space<hbm>>
      tpu.enqueue_dma source(%dma_start3A_11 : memref<1x100000xf32, #tpu.memory_space<hbm>>) target(%arg7 : memref<1x100000xf32, #tpu.memory_space<vmem>>) target_semaphore(%arg12 : memref<!tpu.dma_semaphore, #tpu.memory_space<semaphore_mem>>)
      %dma_start3A_12 = arith.constant 0 : i32
      %dma_start3A_13 = tpu.memref_slice %arg2[%add3A, %dma_start3A_12] : memref<26x16384xi32, #tpu.memory_space<hbm>> -> memref<1x4096xi32, #tpu.memory_space<hbm>>
      %dma_start3A_14 = arith.constant 0 : i32
      %dma_start3A_15 = tpu.memref_slice %arg2[%add3A, %dma_start3A_14] : memref<26x16384xi32, #tpu.memory_space<hbm>> -> memref<1x4096xi32, #tpu.memory_space<hbm>>
      tpu.enqueue_dma source(%dma_start3A_15 : memref<1x4096xi32, #tpu.memory_space<hbm>>) target(%arg8 : memref<1x4096xi32, #tpu.memory_space<vmem>>) target_semaphore(%arg13 : memref<!tpu.dma_semaphore, #tpu.memory_space<semaphore_mem>>)
      %dma_start3A_16 = arith.constant 4096 : i32
      %dma_start3A_17 = tpu.memref_slice %arg2[%add3A, %dma_start3A_16] : memref<26x16384xi32, #tpu.memory_space<hbm>> -> memref<1x4096xi32, #tpu.memory_space<hbm>>
      %dma_start3A_18 = arith.constant 4096 : i32
      %dma_start3A_19 = tpu.memref_slice %arg2[%add3A, %dma_start3A_18] : memref<26x16384xi32, #tpu.memory_space<hbm>> -> memref<1x4096xi32, #tpu.memory_space<hbm>>
      tpu.enqueue_dma source(%dma_start3A_19 : memref<1x4096xi32, #tpu.memory_space<hbm>>) target(%arg9 : memref<1x4096xi32, #tpu.memory_space<vmem>>) target_semaphore(%arg14 : memref<!tpu.dma_semaphore, #tpu.memory_space<semaphore_mem>>)
      %dma_wait3A = arith.constant 0 : i32
      %dma_wait3A_20 = tpu.memref_slice %arg4[%add3A, %dma_wait3A] : memref<26x100000xf32, #tpu.memory_space<hbm>> -> memref<1x100000xf32, #tpu.memory_space<hbm>>
      %dma_wait3A_21 = arith.constant 0 : i32
      %dma_wait3A_22 = tpu.memref_slice %arg4[%add3A, %dma_wait3A_21] : memref<26x100000xf32, #tpu.memory_space<hbm>> -> memref<1x100000xf32, #tpu.memory_space<hbm>>
      tpu.wait_dma2 semaphore(%arg12 : memref<!tpu.dma_semaphore, #tpu.memory_space<semaphore_mem>>) src(%dma_wait3A_22 : memref<1x100000xf32, #tpu.memory_space<hbm>>) dst(%arg7 : memref<1x100000xf32, #tpu.memory_space<vmem>>)
      %dma_wait3A_23 = arith.constant 0 : i32
      %dma_wait3A_24 = tpu.memref_slice %arg2[%add3A, %dma_wait3A_23] : memref<26x16384xi32, #tpu.memory_space<hbm>> -> memref<1x4096xi32, #tpu.memory_space<hbm>>
      %dma_wait3A_25 = arith.constant 0 : i32
      %dma_wait3A_26 = tpu.memref_slice %arg2[%add3A, %dma_wait3A_25] : memref<26x16384xi32, #tpu.memory_space<hbm>> -> memref<1x4096xi32, #tpu.memory_space<hbm>>
      tpu.wait_dma2 semaphore(%arg13 : memref<!tpu.dma_semaphore, #tpu.memory_space<semaphore_mem>>) src(%dma_wait3A_26 : memref<1x4096xi32, #tpu.memory_space<hbm>>) dst(%arg8 : memref<1x4096xi32, #tpu.memory_space<vmem>>)
      %scan3A_27 = arith.constant 0 : i32
      %scan3A_28 = arith.constant 0 : i32
      %scan3A_29 = arith.constant 32 : i32
      %scan3A_30 = arith.addi %scan3A_28, %scan3A_29 : i32
      %scan3A_31 = arith.constant 1 : i32
      scf.for %scan3A_103 = %scan3A_28 to %scan3A_30 step %scan3A_31  : i32 {
        %mul3A_104 = arith.constant 8 : i32
        %mul3A_105 = arith.muli %scan3A_103, %mul3A_104 : i32
        %add3A_106 = arith.constant 0 : i32
        %add3A_107 = arith.addi %mul3A_105, %add3A_106 : i32
        %mul3A_108 = arith.constant 16 : i32
        %mul3A_109 = arith.muli %add3A_107, %mul3A_108 : i32
        %get3A = arith.constant 0 : i32
        %get3A_110 = arith.index_cast %get3A : i32 to index
        %get3A_111 = arith.index_cast %mul3A_109 : i32 to index
        %get3A_112 = tpu.vector_load %arg8[%get3A_110, %get3A_111] {strides = array<i32>} : memref<1x4096xi32, #tpu.memory_space<vmem>>, vector<16xi32>,
        %gather3A = tpu.vector_load_idx %arg7[%broadcast_in_dim3A_1, %get3A_112] : memref<1x100000xf32, #tpu.memory_space<vmem>>[vector<16xi32>, vector<16xi32>], vector<16xf32>,
        %swap3A = arith.constant 0 : i32
        %swap3A_113 = arith.index_cast %swap3A : i32 to index
        %swap3A_114 = arith.index_cast %mul3A_109 : i32 to index
        %swap3A_115 = tpu.vector_load %arg10[%swap3A_113, %swap3A_114] {strides = array<i32>} : memref<1x4096xf32, #tpu.memory_space<vmem>>, vector<16xf32>,
        tpu.vector_store %arg10[%swap3A_113, %swap3A_114], %gather3A {strides = array<i32>} : memref<1x4096xf32, #tpu.memory_space<vmem>>, vector<16xf32>,
        %mul3A_116 = arith.constant 8 : i32
        %mul3A_117 = arith.muli %scan3A_103, %mul3A_116 : i32
        %add3A_118 = arith.constant 1 : i32
        %add3A_119 = arith.addi %mul3A_117, %add3A_118 : i32
        %mul3A_120 = arith.constant 16 : i32
        %mul3A_121 = arith.muli %add3A_119, %mul3A_120 : i32
        %get3A_122 = arith.constant 0 : i32
        %get3A_123 = arith.index_cast %get3A_122 : i32 to index
        %get3A_124 = arith.index_cast %mul3A_121 : i32 to index
        %get3A_125 = tpu.vector_load %arg8[%get3A_123, %get3A_124] {strides = array<i32>} : memref<1x4096xi32, #tpu.memory_space<vmem>>, vector<16xi32>,
        %gather3A_126 = tpu.vector_load_idx %arg7[%broadcast_in_dim3A_1, %get3A_125] : memref<1x100000xf32, #tpu.memory_space<vmem>>[vector<16xi32>, vector<16xi32>], vector<16xf32>,
        %swap3A_127 = arith.constant 0 : i32
        %swap3A_128 = arith.index_cast %swap3A_127 : i32 to index
        %swap3A_129 = arith.index_cast %mul3A_121 : i32 to index
        %swap3A_130 = tpu.vector_load %arg10[%swap3A_128, %swap3A_129] {strides = array<i32>} : memref<1x4096xf32, #tpu.memory_space<vmem>>, vector<16xf32>,
        tpu.vector_store %arg10[%swap3A_128, %swap3A_129], %gather3A_126 {strides = array<i32>} : memref<1x4096xf32, #tpu.memory_space<vmem>>, vector<16xf32>,
        %mul3A_131 = arith.constant 8 : i32
        %mul3A_132 = arith.muli %scan3A_103, %mul3A_131 : i32
        %add3A_133 = arith.constant 2 : i32
        %add3A_134 = arith.addi %mul3A_132, %add3A_133 : i32
        %mul3A_135 = arith.constant 16 : i32
        %mul3A_136 = arith.muli %add3A_134, %mul3A_135 : i32
        %get3A_137 = arith.constant 0 : i32
        %get3A_138 = arith.index_cast %get3A_137 : i32 to index
        %get3A_139 = arith.index_cast %mul3A_136 : i32 to index
        %get3A_140 = tpu.vector_load %arg8[%get3A_138, %get3A_139] {strides = array<i32>} : memref<1x4096xi32, #tpu.memory_space<vmem>>, vector<16xi32>,
        %gather3A_141 = tpu.vector_load_idx %arg7[%broadcast_in_dim3A_1, %get3A_140] : memref<1x100000xf32, #tpu.memory_space<vmem>>[vector<16xi32>, vector<16xi32>], vector<16xf32>,
        %swap3A_142 = arith.constant 0 : i32
        %swap3A_143 = arith.index_cast %swap3A_142 : i32 to index
        %swap3A_144 = arith.index_cast %mul3A_136 : i32 to index
        %swap3A_145 = tpu.vector_load %arg10[%swap3A_143, %swap3A_144] {strides = array<i32>} : memref<1x4096xf32, #tpu.memory_space<vmem>>, vector<16xf32>,
        tpu.vector_store %arg10[%swap3A_143, %swap3A_144], %gather3A_141 {strides = array<i32>} : memref<1x4096xf32, #tpu.memory_space<vmem>>, vector<16xf32>,
        %mul3A_146 = arith.constant 8 : i32
        %mul3A_147 = arith.muli %scan3A_103, %mul3A_146 : i32
        %add3A_148 = arith.constant 3 : i32
        %add3A_149 = arith.addi %mul3A_147, %add3A_148 : i32
        %mul3A_150 = arith.constant 16 : i32
        %mul3A_151 = arith.muli %add3A_149, %mul3A_150 : i32
        %get3A_152 = arith.constant 0 : i32
        %get3A_153 = arith.index_cast %get3A_152 : i32 to index
        %get3A_154 = arith.index_cast %mul3A_151 : i32 to index
        %get3A_155 = tpu.vector_load %arg8[%get3A_153, %get3A_154] {strides = array<i32>} : memref<1x4096xi32, #tpu.memory_space<vmem>>, vector<16xi32>,
        %gather3A_156 = tpu.vector_load_idx %arg7[%broadcast_in_dim3A_1, %get3A_155] : memref<1x100000xf32, #tpu.memory_space<vmem>>[vector<16xi32>, vector<16xi32>], vector<16xf32>,
        %swap3A_157 = arith.constant 0 : i32
        %swap3A_158 = arith.index_cast %swap3A_157 : i32 to index
        %swap3A_159 = arith.index_cast %mul3A_151 : i32 to index
        %swap3A_160 = tpu.vector_load %arg10[%swap3A_158, %swap3A_159] {strides = array<i32>} : memref<1x4096xf32, #tpu.memory_space<vmem>>, vector<16xf32>,
        tpu.vector_store %arg10[%swap3A_158, %swap3A_159], %gather3A_156 {strides = array<i32>} : memref<1x4096xf32, #tpu.memory_space<vmem>>, vector<16xf32>,
        %mul3A_161 = arith.constant 8 : i32
        %mul3A_162 = arith.muli %scan3A_103, %mul3A_161 : i32
        %add3A_163 = arith.constant 4 : i32
        %add3A_164 = arith.addi %mul3A_162, %add3A_163 : i32
        %mul3A_165 = arith.constant 16 : i32
        %mul3A_166 = arith.muli %add3A_164, %mul3A_165 : i32
        %get3A_167 = arith.constant 0 : i32
        %get3A_168 = arith.index_cast %get3A_167 : i32 to index
        %get3A_169 = arith.index_cast %mul3A_166 : i32 to index
        %get3A_170 = tpu.vector_load %arg8[%get3A_168, %get3A_169] {strides = array<i32>} : memref<1x4096xi32, #tpu.memory_space<vmem>>, vector<16xi32>,
        %gather3A_171 = tpu.vector_load_idx %arg7[%broadcast_in_dim3A_1, %get3A_170] : memref<1x100000xf32, #tpu.memory_space<vmem>>[vector<16xi32>, vector<16xi32>], vector<16xf32>,
        %swap3A_172 = arith.constant 0 : i32
        %swap3A_173 = arith.index_cast %swap3A_172 : i32 to index
        %swap3A_174 = arith.index_cast %mul3A_166 : i32 to index
        %swap3A_175 = tpu.vector_load %arg10[%swap3A_173, %swap3A_174] {strides = array<i32>} : memref<1x4096xf32, #tpu.memory_space<vmem>>, vector<16xf32>,
        tpu.vector_store %arg10[%swap3A_173, %swap3A_174], %gather3A_171 {strides = array<i32>} : memref<1x4096xf32, #tpu.memory_space<vmem>>, vector<16xf32>,
        %mul3A_176 = arith.constant 8 : i32
        %mul3A_177 = arith.muli %scan3A_103, %mul3A_176 : i32
        %add3A_178 = arith.constant 5 : i32
        %add3A_179 = arith.addi %mul3A_177, %add3A_178 : i32
        %mul3A_180 = arith.constant 16 : i32
        %mul3A_181 = arith.muli %add3A_179, %mul3A_180 : i32
        %get3A_182 = arith.constant 0 : i32
        %get3A_183 = arith.index_cast %get3A_182 : i32 to index
        %get3A_184 = arith.index_cast %mul3A_181 : i32 to index
        %get3A_185 = tpu.vector_load %arg8[%get3A_183, %get3A_184] {strides = array<i32>} : memref<1x4096xi32, #tpu.memory_space<vmem>>, vector<16xi32>,
        %gather3A_186 = tpu.vector_load_idx %arg7[%broadcast_in_dim3A_1, %get3A_185] : memref<1x100000xf32, #tpu.memory_space<vmem>>[vector<16xi32>, vector<16xi32>], vector<16xf32>,
        %swap3A_187 = arith.constant 0 : i32
        %swap3A_188 = arith.index_cast %swap3A_187 : i32 to index
        %swap3A_189 = arith.index_cast %mul3A_181 : i32 to index
        %swap3A_190 = tpu.vector_load %arg10[%swap3A_188, %swap3A_189] {strides = array<i32>} : memref<1x4096xf32, #tpu.memory_space<vmem>>, vector<16xf32>,
        tpu.vector_store %arg10[%swap3A_188, %swap3A_189], %gather3A_186 {strides = array<i32>} : memref<1x4096xf32, #tpu.memory_space<vmem>>, vector<16xf32>,
        %mul3A_191 = arith.constant 8 : i32
        %mul3A_192 = arith.muli %scan3A_103, %mul3A_191 : i32
        %add3A_193 = arith.constant 6 : i32
        %add3A_194 = arith.addi %mul3A_192, %add3A_193 : i32
        %mul3A_195 = arith.constant 16 : i32
        %mul3A_196 = arith.muli %add3A_194, %mul3A_195 : i32
        %get3A_197 = arith.constant 0 : i32
        %get3A_198 = arith.index_cast %get3A_197 : i32 to index
        %get3A_199 = arith.index_cast %mul3A_196 : i32 to index
        %get3A_200 = tpu.vector_load %arg8[%get3A_198, %get3A_199] {strides = array<i32>} : memref<1x4096xi32, #tpu.memory_space<vmem>>, vector<16xi32>,
        %gather3A_201 = tpu.vector_load_idx %arg7[%broadcast_in_dim3A_1, %get3A_200] : memref<1x100000xf32, #tpu.memory_space<vmem>>[vector<16xi32>, vector<16xi32>], vector<16xf32>,
        %swap3A_202 = arith.constant 0 : i32
        %swap3A_203 = arith.index_cast %swap3A_202 : i32 to index
        %swap3A_204 = arith.index_cast %mul3A_196 : i32 to index
        %swap3A_205 = tpu.vector_load %arg10[%swap3A_203, %swap3A_204] {strides = array<i32>} : memref<1x4096xf32, #tpu.memory_space<vmem>>, vector<16xf32>,
        tpu.vector_store %arg10[%swap3A_203, %swap3A_204], %gather3A_201 {strides = array<i32>} : memref<1x4096xf32, #tpu.memory_space<vmem>>, vector<16xf32>,
        %mul3A_206 = arith.constant 8 : i32
        %mul3A_207 = arith.muli %scan3A_103, %mul3A_206 : i32
        %add3A_208 = arith.constant 7 : i32
        %add3A_209 = arith.addi %mul3A_207, %add3A_208 : i32
        %mul3A_210 = arith.constant 16 : i32
        %mul3A_211 = arith.muli %add3A_209, %mul3A_210 : i32
        %get3A_212 = arith.constant 0 : i32
        %get3A_213 = arith.index_cast %get3A_212 : i32 to index
        %get3A_214 = arith.index_cast %mul3A_211 : i32 to index
        %get3A_215 = tpu.vector_load %arg8[%get3A_213, %get3A_214] {strides = array<i32>} : memref<1x4096xi32, #tpu.memory_space<vmem>>, vector<16xi32>,
        %gather3A_216 = tpu.vector_load_idx %arg7[%broadcast_in_dim3A_1, %get3A_215] : memref<1x100000xf32, #tpu.memory_space<vmem>>[vector<16xi32>, vector<16xi32>], vector<16xf32>,
        %swap3A_217 = arith.constant 0 : i32
        %swap3A_218 = arith.index_cast %swap3A_217 : i32 to index
        %swap3A_219 = arith.index_cast %mul3A_211 : i32 to index
        %swap3A_220 = tpu.vector_load %arg10[%swap3A_218, %swap3A_219] {strides = array<i32>} : memref<1x4096xf32, #tpu.memory_space<vmem>>, vector<16xf32>,
        tpu.vector_store %arg10[%swap3A_218, %swap3A_219], %gather3A_216 {strides = array<i32>} : memref<1x4096xf32, #tpu.memory_space<vmem>>, vector<16xf32>,
      }
      %scan3A_32 = arith.constant 32 : i32
      %dma_start3A_33 = arith.constant 8192 : i32
      %dma_start3A_34 = tpu.memref_slice %arg2[%add3A, %dma_start3A_33] : memref<26x16384xi32, #tpu.memory_space<hbm>> -> memref<1x4096xi32, #tpu.memory_space<hbm>>
      %dma_start3A_35 = arith.constant 8192 : i32
      %dma_start3A_36 = tpu.memref_slice %arg2[%add3A, %dma_start3A_35] : memref<26x16384xi32, #tpu.memory_space<hbm>> -> memref<1x4096xi32, #tpu.memory_space<hbm>>
      tpu.enqueue_dma source(%dma_start3A_36 : memref<1x4096xi32, #tpu.memory_space<hbm>>) target(%arg8 : memref<1x4096xi32, #tpu.memory_space<vmem>>) target_semaphore(%arg13 : memref<!tpu.dma_semaphore, #tpu.memory_space<semaphore_mem>>)
      %dma_start3A_37 = arith.constant 0 : i32
      %dma_start3A_38 = tpu.memref_slice %arg6[%add3A, %dma_start3A_37] : memref<26x16384xf32, #tpu.memory_space<hbm>> -> memref<1x4096xf32, #tpu.memory_space<hbm>>
      %dma_start3A_39 = arith.constant 0 : i32
      %dma_start3A_40 = tpu.memref_slice %arg6[%add3A, %dma_start3A_39] : memref<26x16384xf32, #tpu.memory_space<hbm>> -> memref<1x4096xf32, #tpu.memory_space<hbm>>
      tpu.enqueue_dma source(%arg10 : memref<1x4096xf32, #tpu.memory_space<vmem>>) target(%dma_start3A_40 : memref<1x4096xf32, #tpu.memory_space<hbm>>) target_semaphore(%arg15 : memref<!tpu.dma_semaphore, #tpu.memory_space<semaphore_mem>>)
      %dma_wait3A_41 = arith.constant 4096 : i32
      %dma_wait3A_42 = tpu.memref_slice %arg2[%add3A, %dma_wait3A_41] : memref<26x16384xi32, #tpu.memory_space<hbm>> -> memref<1x4096xi32, #tpu.memory_space<hbm>>
      %dma_wait3A_43 = arith.constant 4096 : i32
      %dma_wait3A_44 = tpu.memref_slice %arg2[%add3A, %dma_wait3A_43] : memref<26x16384xi32, #tpu.memory_space<hbm>> -> memref<1x4096xi32, #tpu.memory_space<hbm>>
      tpu.wait_dma2 semaphore(%arg14 : memref<!tpu.dma_semaphore, #tpu.memory_space<semaphore_mem>>) src(%dma_wait3A_44 : memref<1x4096xi32, #tpu.memory_space<hbm>>) dst(%arg9 : memref<1x4096xi32, #tpu.memory_space<vmem>>)
      %scan3A_45 = arith.constant 0 : i32
      %scan3A_46 = arith.constant 0 : i32
      %scan3A_47 = arith.constant 32 : i32
      %scan3A_48 = arith.addi %scan3A_46, %scan3A_47 : i32
      %scan3A_49 = arith.constant 1 : i32
      scf.for %scan3A_103 = %scan3A_46 to %scan3A_48 step %scan3A_49  : i32 {
        %mul3A_104 = arith.constant 8 : i32
        %mul3A_105 = arith.muli %scan3A_103, %mul3A_104 : i32
        %add3A_106 = arith.constant 0 : i32
        %add3A_107 = arith.addi %mul3A_105, %add3A_106 : i32
        %mul3A_108 = arith.constant 16 : i32
        %mul3A_109 = arith.muli %add3A_107, %mul3A_108 : i32
        %get3A = arith.constant 0 : i32
        %get3A_110 = arith.index_cast %get3A : i32 to index
        %get3A_111 = arith.index_cast %mul3A_109 : i32 to index
        %get3A_112 = tpu.vector_load %arg9[%get3A_110, %get3A_111] {strides = array<i32>} : memref<1x4096xi32, #tpu.memory_space<vmem>>, vector<16xi32>,
        %gather3A = tpu.vector_load_idx %arg7[%broadcast_in_dim3A_1, %get3A_112] : memref<1x100000xf32, #tpu.memory_space<vmem>>[vector<16xi32>, vector<16xi32>], vector<16xf32>,
        %swap3A = arith.constant 0 : i32
        %swap3A_113 = arith.index_cast %swap3A : i32 to index
        %swap3A_114 = arith.index_cast %mul3A_109 : i32 to index
        %swap3A_115 = tpu.vector_load %arg11[%swap3A_113, %swap3A_114] {strides = array<i32>} : memref<1x4096xf32, #tpu.memory_space<vmem>>, vector<16xf32>,
        tpu.vector_store %arg11[%swap3A_113, %swap3A_114], %gather3A {strides = array<i32>} : memref<1x4096xf32, #tpu.memory_space<vmem>>, vector<16xf32>,
        %mul3A_116 = arith.constant 8 : i32
        %mul3A_117 = arith.muli %scan3A_103, %mul3A_116 : i32
        %add3A_118 = arith.constant 1 : i32
        %add3A_119 = arith.addi %mul3A_117, %add3A_118 : i32
        %mul3A_120 = arith.constant 16 : i32
        %mul3A_121 = arith.muli %add3A_119, %mul3A_120 : i32
        %get3A_122 = arith.constant 0 : i32
        %get3A_123 = arith.index_cast %get3A_122 : i32 to index
        %get3A_124 = arith.index_cast %mul3A_121 : i32 to index
        %get3A_125 = tpu.vector_load %arg9[%get3A_123, %get3A_124] {strides = array<i32>} : memref<1x4096xi32, #tpu.memory_space<vmem>>, vector<16xi32>,
        %gather3A_126 = tpu.vector_load_idx %arg7[%broadcast_in_dim3A_1, %get3A_125] : memref<1x100000xf32, #tpu.memory_space<vmem>>[vector<16xi32>, vector<16xi32>], vector<16xf32>,
        %swap3A_127 = arith.constant 0 : i32
        %swap3A_128 = arith.index_cast %swap3A_127 : i32 to index
        %swap3A_129 = arith.index_cast %mul3A_121 : i32 to index
        %swap3A_130 = tpu.vector_load %arg11[%swap3A_128, %swap3A_129] {strides = array<i32>} : memref<1x4096xf32, #tpu.memory_space<vmem>>, vector<16xf32>,
        tpu.vector_store %arg11[%swap3A_128, %swap3A_129], %gather3A_126 {strides = array<i32>} : memref<1x4096xf32, #tpu.memory_space<vmem>>, vector<16xf32>,
        %mul3A_131 = arith.constant 8 : i32
        %mul3A_132 = arith.muli %scan3A_103, %mul3A_131 : i32
        %add3A_133 = arith.constant 2 : i32
        %add3A_134 = arith.addi %mul3A_132, %add3A_133 : i32
        %mul3A_135 = arith.constant 16 : i32
        %mul3A_136 = arith.muli %add3A_134, %mul3A_135 : i32
        %get3A_137 = arith.constant 0 : i32
        %get3A_138 = arith.index_cast %get3A_137 : i32 to index
        %get3A_139 = arith.index_cast %mul3A_136 : i32 to index
        %get3A_140 = tpu.vector_load %arg9[%get3A_138, %get3A_139] {strides = array<i32>} : memref<1x4096xi32, #tpu.memory_space<vmem>>, vector<16xi32>,
        %gather3A_141 = tpu.vector_load_idx %arg7[%broadcast_in_dim3A_1, %get3A_140] : memref<1x100000xf32, #tpu.memory_space<vmem>>[vector<16xi32>, vector<16xi32>], vector<16xf32>,
        %swap3A_142 = arith.constant 0 : i32
        %swap3A_143 = arith.index_cast %swap3A_142 : i32 to index
        %swap3A_144 = arith.index_cast %mul3A_136 : i32 to index
        %swap3A_145 = tpu.vector_load %arg11[%swap3A_143, %swap3A_144] {strides = array<i32>} : memref<1x4096xf32, #tpu.memory_space<vmem>>, vector<16xf32>,
        tpu.vector_store %arg11[%swap3A_143, %swap3A_144], %gather3A_141 {strides = array<i32>} : memref<1x4096xf32, #tpu.memory_space<vmem>>, vector<16xf32>,
        %mul3A_146 = arith.constant 8 : i32
        %mul3A_147 = arith.muli %scan3A_103, %mul3A_146 : i32
        %add3A_148 = arith.constant 3 : i32
        %add3A_149 = arith.addi %mul3A_147, %add3A_148 : i32
        %mul3A_150 = arith.constant 16 : i32
        %mul3A_151 = arith.muli %add3A_149, %mul3A_150 : i32
        %get3A_152 = arith.constant 0 : i32
        %get3A_153 = arith.index_cast %get3A_152 : i32 to index
        %get3A_154 = arith.index_cast %mul3A_151 : i32 to index
        %get3A_155 = tpu.vector_load %arg9[%get3A_153, %get3A_154] {strides = array<i32>} : memref<1x4096xi32, #tpu.memory_space<vmem>>, vector<16xi32>,
        %gather3A_156 = tpu.vector_load_idx %arg7[%broadcast_in_dim3A_1, %get3A_155] : memref<1x100000xf32, #tpu.memory_space<vmem>>[vector<16xi32>, vector<16xi32>], vector<16xf32>,
        %swap3A_157 = arith.constant 0 : i32
        %swap3A_158 = arith.index_cast %swap3A_157 : i32 to index
        %swap3A_159 = arith.index_cast %mul3A_151 : i32 to index
        %swap3A_160 = tpu.vector_load %arg11[%swap3A_158, %swap3A_159] {strides = array<i32>} : memref<1x4096xf32, #tpu.memory_space<vmem>>, vector<16xf32>,
        tpu.vector_store %arg11[%swap3A_158, %swap3A_159], %gather3A_156 {strides = array<i32>} : memref<1x4096xf32, #tpu.memory_space<vmem>>, vector<16xf32>,
        %mul3A_161 = arith.constant 8 : i32
        %mul3A_162 = arith.muli %scan3A_103, %mul3A_161 : i32
        %add3A_163 = arith.constant 4 : i32
        %add3A_164 = arith.addi %mul3A_162, %add3A_163 : i32
        %mul3A_165 = arith.constant 16 : i32
        %mul3A_166 = arith.muli %add3A_164, %mul3A_165 : i32
        %get3A_167 = arith.constant 0 : i32
        %get3A_168 = arith.index_cast %get3A_167 : i32 to index
        %get3A_169 = arith.index_cast %mul3A_166 : i32 to index
        %get3A_170 = tpu.vector_load %arg9[%get3A_168, %get3A_169] {strides = array<i32>} : memref<1x4096xi32, #tpu.memory_space<vmem>>, vector<16xi32>,
        %gather3A_171 = tpu.vector_load_idx %arg7[%broadcast_in_dim3A_1, %get3A_170] : memref<1x100000xf32, #tpu.memory_space<vmem>>[vector<16xi32>, vector<16xi32>], vector<16xf32>,
        %swap3A_172 = arith.constant 0 : i32
        %swap3A_173 = arith.index_cast %swap3A_172 : i32 to index
        %swap3A_174 = arith.index_cast %mul3A_166 : i32 to index
        %swap3A_175 = tpu.vector_load %arg11[%swap3A_173, %swap3A_174] {strides = array<i32>} : memref<1x4096xf32, #tpu.memory_space<vmem>>, vector<16xf32>,
        tpu.vector_store %arg11[%swap3A_173, %swap3A_174], %gather3A_171 {strides = array<i32>} : memref<1x4096xf32, #tpu.memory_space<vmem>>, vector<16xf32>,
        %mul3A_176 = arith.constant 8 : i32
        %mul3A_177 = arith.muli %scan3A_103, %mul3A_176 : i32
        %add3A_178 = arith.constant 5 : i32
        %add3A_179 = arith.addi %mul3A_177, %add3A_178 : i32
        %mul3A_180 = arith.constant 16 : i32
        %mul3A_181 = arith.muli %add3A_179, %mul3A_180 : i32
        %get3A_182 = arith.constant 0 : i32
        %get3A_183 = arith.index_cast %get3A_182 : i32 to index
        %get3A_184 = arith.index_cast %mul3A_181 : i32 to index
        %get3A_185 = tpu.vector_load %arg9[%get3A_183, %get3A_184] {strides = array<i32>} : memref<1x4096xi32, #tpu.memory_space<vmem>>, vector<16xi32>,
        %gather3A_186 = tpu.vector_load_idx %arg7[%broadcast_in_dim3A_1, %get3A_185] : memref<1x100000xf32, #tpu.memory_space<vmem>>[vector<16xi32>, vector<16xi32>], vector<16xf32>,
        %swap3A_187 = arith.constant 0 : i32
        %swap3A_188 = arith.index_cast %swap3A_187 : i32 to index
        %swap3A_189 = arith.index_cast %mul3A_181 : i32 to index
        %swap3A_190 = tpu.vector_load %arg11[%swap3A_188, %swap3A_189] {strides = array<i32>} : memref<1x4096xf32, #tpu.memory_space<vmem>>, vector<16xf32>,
        tpu.vector_store %arg11[%swap3A_188, %swap3A_189], %gather3A_186 {strides = array<i32>} : memref<1x4096xf32, #tpu.memory_space<vmem>>, vector<16xf32>,
        %mul3A_191 = arith.constant 8 : i32
        %mul3A_192 = arith.muli %scan3A_103, %mul3A_191 : i32
        %add3A_193 = arith.constant 6 : i32
        %add3A_194 = arith.addi %mul3A_192, %add3A_193 : i32
        %mul3A_195 = arith.constant 16 : i32
        %mul3A_196 = arith.muli %add3A_194, %mul3A_195 : i32
        %get3A_197 = arith.constant 0 : i32
        %get3A_198 = arith.index_cast %get3A_197 : i32 to index
        %get3A_199 = arith.index_cast %mul3A_196 : i32 to index
        %get3A_200 = tpu.vector_load %arg9[%get3A_198, %get3A_199] {strides = array<i32>} : memref<1x4096xi32, #tpu.memory_space<vmem>>, vector<16xi32>,
        %gather3A_201 = tpu.vector_load_idx %arg7[%broadcast_in_dim3A_1, %get3A_200] : memref<1x100000xf32, #tpu.memory_space<vmem>>[vector<16xi32>, vector<16xi32>], vector<16xf32>,
        %swap3A_202 = arith.constant 0 : i32
        %swap3A_203 = arith.index_cast %swap3A_202 : i32 to index
        %swap3A_204 = arith.index_cast %mul3A_196 : i32 to index
        %swap3A_205 = tpu.vector_load %arg11[%swap3A_203, %swap3A_204] {strides = array<i32>} : memref<1x4096xf32, #tpu.memory_space<vmem>>, vector<16xf32>,
        tpu.vector_store %arg11[%swap3A_203, %swap3A_204], %gather3A_201 {strides = array<i32>} : memref<1x4096xf32, #tpu.memory_space<vmem>>, vector<16xf32>,
        %mul3A_206 = arith.constant 8 : i32
        %mul3A_207 = arith.muli %scan3A_103, %mul3A_206 : i32
        %add3A_208 = arith.constant 7 : i32
        %add3A_209 = arith.addi %mul3A_207, %add3A_208 : i32
        %mul3A_210 = arith.constant 16 : i32
        %mul3A_211 = arith.muli %add3A_209, %mul3A_210 : i32
        %get3A_212 = arith.constant 0 : i32
        %get3A_213 = arith.index_cast %get3A_212 : i32 to index
        %get3A_214 = arith.index_cast %mul3A_211 : i32 to index
        %get3A_215 = tpu.vector_load %arg9[%get3A_213, %get3A_214] {strides = array<i32>} : memref<1x4096xi32, #tpu.memory_space<vmem>>, vector<16xi32>,
        %gather3A_216 = tpu.vector_load_idx %arg7[%broadcast_in_dim3A_1, %get3A_215] : memref<1x100000xf32, #tpu.memory_space<vmem>>[vector<16xi32>, vector<16xi32>], vector<16xf32>,
        %swap3A_217 = arith.constant 0 : i32
        %swap3A_218 = arith.index_cast %swap3A_217 : i32 to index
        %swap3A_219 = arith.index_cast %mul3A_211 : i32 to index
        %swap3A_220 = tpu.vector_load %arg11[%swap3A_218, %swap3A_219] {strides = array<i32>} : memref<1x4096xf32, #tpu.memory_space<vmem>>, vector<16xf32>,
        tpu.vector_store %arg11[%swap3A_218, %swap3A_219], %gather3A_216 {strides = array<i32>} : memref<1x4096xf32, #tpu.memory_space<vmem>>, vector<16xf32>,
      }
      %scan3A_50 = arith.constant 32 : i32
      %dma_start3A_51 = arith.constant 12288 : i32
      %dma_start3A_52 = tpu.memref_slice %arg2[%add3A, %dma_start3A_51] : memref<26x16384xi32, #tpu.memory_space<hbm>> -> memref<1x4096xi32, #tpu.memory_space<hbm>>
      %dma_start3A_53 = arith.constant 12288 : i32
      %dma_start3A_54 = tpu.memref_slice %arg2[%add3A, %dma_start3A_53] : memref<26x16384xi32, #tpu.memory_space<hbm>> -> memref<1x4096xi32, #tpu.memory_space<hbm>>
      tpu.enqueue_dma source(%dma_start3A_54 : memref<1x4096xi32, #tpu.memory_space<hbm>>) target(%arg9 : memref<1x4096xi32, #tpu.memory_space<vmem>>) target_semaphore(%arg14 : memref<!tpu.dma_semaphore, #tpu.memory_space<semaphore_mem>>)
      %dma_start3A_55 = arith.constant 4096 : i32
      %dma_start3A_56 = tpu.memref_slice %arg6[%add3A, %dma_start3A_55] : memref<26x16384xf32, #tpu.memory_space<hbm>> -> memref<1x4096xf32, #tpu.memory_space<hbm>>
      %dma_start3A_57 = arith.constant 4096 : i32
      %dma_start3A_58 = tpu.memref_slice %arg6[%add3A, %dma_start3A_57] : memref<26x16384xf32, #tpu.memory_space<hbm>> -> memref<1x4096xf32, #tpu.memory_space<hbm>>
      tpu.enqueue_dma source(%arg11 : memref<1x4096xf32, #tpu.memory_space<vmem>>) target(%dma_start3A_58 : memref<1x4096xf32, #tpu.memory_space<hbm>>) target_semaphore(%arg16 : memref<!tpu.dma_semaphore, #tpu.memory_space<semaphore_mem>>)
      %dma_wait3A_59 = arith.constant 8192 : i32
      %dma_wait3A_60 = tpu.memref_slice %arg2[%add3A, %dma_wait3A_59] : memref<26x16384xi32, #tpu.memory_space<hbm>> -> memref<1x4096xi32, #tpu.memory_space<hbm>>
      %dma_wait3A_61 = arith.constant 8192 : i32
      %dma_wait3A_62 = tpu.memref_slice %arg2[%add3A, %dma_wait3A_61] : memref<26x16384xi32, #tpu.memory_space<hbm>> -> memref<1x4096xi32, #tpu.memory_space<hbm>>
      tpu.wait_dma2 semaphore(%arg13 : memref<!tpu.dma_semaphore, #tpu.memory_space<semaphore_mem>>) src(%dma_wait3A_62 : memref<1x4096xi32, #tpu.memory_space<hbm>>) dst(%arg8 : memref<1x4096xi32, #tpu.memory_space<vmem>>)
      %dma_wait3A_63 = arith.constant 0 : i32
      %dma_wait3A_64 = tpu.memref_slice %arg6[%add3A, %dma_wait3A_63] : memref<26x16384xf32, #tpu.memory_space<hbm>> -> memref<1x4096xf32, #tpu.memory_space<hbm>>
      %dma_wait3A_65 = arith.constant 0 : i32
      %dma_wait3A_66 = tpu.memref_slice %arg6[%add3A, %dma_wait3A_65] : memref<26x16384xf32, #tpu.memory_space<hbm>> -> memref<1x4096xf32, #tpu.memory_space<hbm>>
      tpu.wait_dma2 semaphore(%arg15 : memref<!tpu.dma_semaphore, #tpu.memory_space<semaphore_mem>>) src(%arg10 : memref<1x4096xf32, #tpu.memory_space<vmem>>) dst(%dma_wait3A_66 : memref<1x4096xf32, #tpu.memory_space<hbm>>)
      %scan3A_67 = arith.constant 0 : i32
      %scan3A_68 = arith.constant 0 : i32
      %scan3A_69 = arith.constant 32 : i32
      %scan3A_70 = arith.addi %scan3A_68, %scan3A_69 : i32
      %scan3A_71 = arith.constant 1 : i32
      scf.for %scan3A_103 = %scan3A_68 to %scan3A_70 step %scan3A_71  : i32 {
        %mul3A_104 = arith.constant 8 : i32
        %mul3A_105 = arith.muli %scan3A_103, %mul3A_104 : i32
        %add3A_106 = arith.constant 0 : i32
        %add3A_107 = arith.addi %mul3A_105, %add3A_106 : i32
        %mul3A_108 = arith.constant 16 : i32
        %mul3A_109 = arith.muli %add3A_107, %mul3A_108 : i32
        %get3A = arith.constant 0 : i32
        %get3A_110 = arith.index_cast %get3A : i32 to index
        %get3A_111 = arith.index_cast %mul3A_109 : i32 to index
        %get3A_112 = tpu.vector_load %arg8[%get3A_110, %get3A_111] {strides = array<i32>} : memref<1x4096xi32, #tpu.memory_space<vmem>>, vector<16xi32>,
        %gather3A = tpu.vector_load_idx %arg7[%broadcast_in_dim3A_1, %get3A_112] : memref<1x100000xf32, #tpu.memory_space<vmem>>[vector<16xi32>, vector<16xi32>], vector<16xf32>,
        %swap3A = arith.constant 0 : i32
        %swap3A_113 = arith.index_cast %swap3A : i32 to index
        %swap3A_114 = arith.index_cast %mul3A_109 : i32 to index
        %swap3A_115 = tpu.vector_load %arg10[%swap3A_113, %swap3A_114] {strides = array<i32>} : memref<1x4096xf32, #tpu.memory_space<vmem>>, vector<16xf32>,
        tpu.vector_store %arg10[%swap3A_113, %swap3A_114], %gather3A {strides = array<i32>} : memref<1x4096xf32, #tpu.memory_space<vmem>>, vector<16xf32>,
        %mul3A_116 = arith.constant 8 : i32
        %mul3A_117 = arith.muli %scan3A_103, %mul3A_116 : i32
        %add3A_118 = arith.constant 1 : i32
        %add3A_119 = arith.addi %mul3A_117, %add3A_118 : i32
        %mul3A_120 = arith.constant 16 : i32
        %mul3A_121 = arith.muli %add3A_119, %mul3A_120 : i32
        %get3A_122 = arith.constant 0 : i32
        %get3A_123 = arith.index_cast %get3A_122 : i32 to index
        %get3A_124 = arith.index_cast %mul3A_121 : i32 to index
        %get3A_125 = tpu.vector_load %arg8[%get3A_123, %get3A_124] {strides = array<i32>} : memref<1x4096xi32, #tpu.memory_space<vmem>>, vector<16xi32>,
        %gather3A_126 = tpu.vector_load_idx %arg7[%broadcast_in_dim3A_1, %get3A_125] : memref<1x100000xf32, #tpu.memory_space<vmem>>[vector<16xi32>, vector<16xi32>], vector<16xf32>,
        %swap3A_127 = arith.constant 0 : i32
        %swap3A_128 = arith.index_cast %swap3A_127 : i32 to index
        %swap3A_129 = arith.index_cast %mul3A_121 : i32 to index
        %swap3A_130 = tpu.vector_load %arg10[%swap3A_128, %swap3A_129] {strides = array<i32>} : memref<1x4096xf32, #tpu.memory_space<vmem>>, vector<16xf32>,
        tpu.vector_store %arg10[%swap3A_128, %swap3A_129], %gather3A_126 {strides = array<i32>} : memref<1x4096xf32, #tpu.memory_space<vmem>>, vector<16xf32>,
        %mul3A_131 = arith.constant 8 : i32
        %mul3A_132 = arith.muli %scan3A_103, %mul3A_131 : i32
        %add3A_133 = arith.constant 2 : i32
        %add3A_134 = arith.addi %mul3A_132, %add3A_133 : i32
        %mul3A_135 = arith.constant 16 : i32
        %mul3A_136 = arith.muli %add3A_134, %mul3A_135 : i32
        %get3A_137 = arith.constant 0 : i32
        %get3A_138 = arith.index_cast %get3A_137 : i32 to index
        %get3A_139 = arith.index_cast %mul3A_136 : i32 to index
        %get3A_140 = tpu.vector_load %arg8[%get3A_138, %get3A_139] {strides = array<i32>} : memref<1x4096xi32, #tpu.memory_space<vmem>>, vector<16xi32>,
        %gather3A_141 = tpu.vector_load_idx %arg7[%broadcast_in_dim3A_1, %get3A_140] : memref<1x100000xf32, #tpu.memory_space<vmem>>[vector<16xi32>, vector<16xi32>], vector<16xf32>,
        %swap3A_142 = arith.constant 0 : i32
        %swap3A_143 = arith.index_cast %swap3A_142 : i32 to index
        %swap3A_144 = arith.index_cast %mul3A_136 : i32 to index
        %swap3A_145 = tpu.vector_load %arg10[%swap3A_143, %swap3A_144] {strides = array<i32>} : memref<1x4096xf32, #tpu.memory_space<vmem>>, vector<16xf32>,
        tpu.vector_store %arg10[%swap3A_143, %swap3A_144], %gather3A_141 {strides = array<i32>} : memref<1x4096xf32, #tpu.memory_space<vmem>>, vector<16xf32>,
        %mul3A_146 = arith.constant 8 : i32
        %mul3A_147 = arith.muli %scan3A_103, %mul3A_146 : i32
        %add3A_148 = arith.constant 3 : i32
        %add3A_149 = arith.addi %mul3A_147, %add3A_148 : i32
        %mul3A_150 = arith.constant 16 : i32
        %mul3A_151 = arith.muli %add3A_149, %mul3A_150 : i32
        %get3A_152 = arith.constant 0 : i32
        %get3A_153 = arith.index_cast %get3A_152 : i32 to index
        %get3A_154 = arith.index_cast %mul3A_151 : i32 to index
        %get3A_155 = tpu.vector_load %arg8[%get3A_153, %get3A_154] {strides = array<i32>} : memref<1x4096xi32, #tpu.memory_space<vmem>>, vector<16xi32>,
        %gather3A_156 = tpu.vector_load_idx %arg7[%broadcast_in_dim3A_1, %get3A_155] : memref<1x100000xf32, #tpu.memory_space<vmem>>[vector<16xi32>, vector<16xi32>], vector<16xf32>,
        %swap3A_157 = arith.constant 0 : i32
        %swap3A_158 = arith.index_cast %swap3A_157 : i32 to index
        %swap3A_159 = arith.index_cast %mul3A_151 : i32 to index
        %swap3A_160 = tpu.vector_load %arg10[%swap3A_158, %swap3A_159] {strides = array<i32>} : memref<1x4096xf32, #tpu.memory_space<vmem>>, vector<16xf32>,
        tpu.vector_store %arg10[%swap3A_158, %swap3A_159], %gather3A_156 {strides = array<i32>} : memref<1x4096xf32, #tpu.memory_space<vmem>>, vector<16xf32>,
        %mul3A_161 = arith.constant 8 : i32
        %mul3A_162 = arith.muli %scan3A_103, %mul3A_161 : i32
        %add3A_163 = arith.constant 4 : i32
        %add3A_164 = arith.addi %mul3A_162, %add3A_163 : i32
        %mul3A_165 = arith.constant 16 : i32
        %mul3A_166 = arith.muli %add3A_164, %mul3A_165 : i32
        %get3A_167 = arith.constant 0 : i32
        %get3A_168 = arith.index_cast %get3A_167 : i32 to index
        %get3A_169 = arith.index_cast %mul3A_166 : i32 to index
        %get3A_170 = tpu.vector_load %arg8[%get3A_168, %get3A_169] {strides = array<i32>} : memref<1x4096xi32, #tpu.memory_space<vmem>>, vector<16xi32>,
        %gather3A_171 = tpu.vector_load_idx %arg7[%broadcast_in_dim3A_1, %get3A_170] : memref<1x100000xf32, #tpu.memory_space<vmem>>[vector<16xi32>, vector<16xi32>], vector<16xf32>,
        %swap3A_172 = arith.constant 0 : i32
        %swap3A_173 = arith.index_cast %swap3A_172 : i32 to index
        %swap3A_174 = arith.index_cast %mul3A_166 : i32 to index
        %swap3A_175 = tpu.vector_load %arg10[%swap3A_173, %swap3A_174] {strides = array<i32>} : memref<1x4096xf32, #tpu.memory_space<vmem>>, vector<16xf32>,
        tpu.vector_store %arg10[%swap3A_173, %swap3A_174], %gather3A_171 {strides = array<i32>} : memref<1x4096xf32, #tpu.memory_space<vmem>>, vector<16xf32>,
        %mul3A_176 = arith.constant 8 : i32
        %mul3A_177 = arith.muli %scan3A_103, %mul3A_176 : i32
        %add3A_178 = arith.constant 5 : i32
        %add3A_179 = arith.addi %mul3A_177, %add3A_178 : i32
        %mul3A_180 = arith.constant 16 : i32
        %mul3A_181 = arith.muli %add3A_179, %mul3A_180 : i32
        %get3A_182 = arith.constant 0 : i32
        %get3A_183 = arith.index_cast %get3A_182 : i32 to index
        %get3A_184 = arith.index_cast %mul3A_181 : i32 to index
        %get3A_185 = tpu.vector_load %arg8[%get3A_183, %get3A_184] {strides = array<i32>} : memref<1x4096xi32, #tpu.memory_space<vmem>>, vector<16xi32>,
        %gather3A_186 = tpu.vector_load_idx %arg7[%broadcast_in_dim3A_1, %get3A_185] : memref<1x100000xf32, #tpu.memory_space<vmem>>[vector<16xi32>, vector<16xi32>], vector<16xf32>,
        %swap3A_187 = arith.constant 0 : i32
        %swap3A_188 = arith.index_cast %swap3A_187 : i32 to index
        %swap3A_189 = arith.index_cast %mul3A_181 : i32 to index
        %swap3A_190 = tpu.vector_load %arg10[%swap3A_188, %swap3A_189] {strides = array<i32>} : memref<1x4096xf32, #tpu.memory_space<vmem>>, vector<16xf32>,
        tpu.vector_store %arg10[%swap3A_188, %swap3A_189], %gather3A_186 {strides = array<i32>} : memref<1x4096xf32, #tpu.memory_space<vmem>>, vector<16xf32>,
        %mul3A_191 = arith.constant 8 : i32
        %mul3A_192 = arith.muli %scan3A_103, %mul3A_191 : i32
        %add3A_193 = arith.constant 6 : i32
        %add3A_194 = arith.addi %mul3A_192, %add3A_193 : i32
        %mul3A_195 = arith.constant 16 : i32
        %mul3A_196 = arith.muli %add3A_194, %mul3A_195 : i32
        %get3A_197 = arith.constant 0 : i32
        %get3A_198 = arith.index_cast %get3A_197 : i32 to index
        %get3A_199 = arith.index_cast %mul3A_196 : i32 to index
        %get3A_200 = tpu.vector_load %arg8[%get3A_198, %get3A_199] {strides = array<i32>} : memref<1x4096xi32, #tpu.memory_space<vmem>>, vector<16xi32>,
        %gather3A_201 = tpu.vector_load_idx %arg7[%broadcast_in_dim3A_1, %get3A_200] : memref<1x100000xf32, #tpu.memory_space<vmem>>[vector<16xi32>, vector<16xi32>], vector<16xf32>,
        %swap3A_202 = arith.constant 0 : i32
        %swap3A_203 = arith.index_cast %swap3A_202 : i32 to index
        %swap3A_204 = arith.index_cast %mul3A_196 : i32 to index
        %swap3A_205 = tpu.vector_load %arg10[%swap3A_203, %swap3A_204] {strides = array<i32>} : memref<1x4096xf32, #tpu.memory_space<vmem>>, vector<16xf32>,
        tpu.vector_store %arg10[%swap3A_203, %swap3A_204], %gather3A_201 {strides = array<i32>} : memref<1x4096xf32, #tpu.memory_space<vmem>>, vector<16xf32>,
        %mul3A_206 = arith.constant 8 : i32
        %mul3A_207 = arith.muli %scan3A_103, %mul3A_206 : i32
        %add3A_208 = arith.constant 7 : i32
        %add3A_209 = arith.addi %mul3A_207, %add3A_208 : i32
        %mul3A_210 = arith.constant 16 : i32
        %mul3A_211 = arith.muli %add3A_209, %mul3A_210 : i32
        %get3A_212 = arith.constant 0 : i32
        %get3A_213 = arith.index_cast %get3A_212 : i32 to index
        %get3A_214 = arith.index_cast %mul3A_211 : i32 to index
        %get3A_215 = tpu.vector_load %arg8[%get3A_213, %get3A_214] {strides = array<i32>} : memref<1x4096xi32, #tpu.memory_space<vmem>>, vector<16xi32>,
        %gather3A_216 = tpu.vector_load_idx %arg7[%broadcast_in_dim3A_1, %get3A_215] : memref<1x100000xf32, #tpu.memory_space<vmem>>[vector<16xi32>, vector<16xi32>], vector<16xf32>,
        %swap3A_217 = arith.constant 0 : i32
        %swap3A_218 = arith.index_cast %swap3A_217 : i32 to index
        %swap3A_219 = arith.index_cast %mul3A_211 : i32 to index
        %swap3A_220 = tpu.vector_load %arg10[%swap3A_218, %swap3A_219] {strides = array<i32>} : memref<1x4096xf32, #tpu.memory_space<vmem>>, vector<16xf32>,
        tpu.vector_store %arg10[%swap3A_218, %swap3A_219], %gather3A_216 {strides = array<i32>} : memref<1x4096xf32, #tpu.memory_space<vmem>>, vector<16xf32>,
      }
      %scan3A_72 = arith.constant 32 : i32
      %dma_start3A_73 = arith.constant 8192 : i32
      %dma_start3A_74 = tpu.memref_slice %arg6[%add3A, %dma_start3A_73] : memref<26x16384xf32, #tpu.memory_space<hbm>> -> memref<1x4096xf32, #tpu.memory_space<hbm>>
      %dma_start3A_75 = arith.constant 8192 : i32
      %dma_start3A_76 = tpu.memref_slice %arg6[%add3A, %dma_start3A_75] : memref<26x16384xf32, #tpu.memory_space<hbm>> -> memref<1x4096xf32, #tpu.memory_space<hbm>>
      tpu.enqueue_dma source(%arg10 : memref<1x4096xf32, #tpu.memory_space<vmem>>) target(%dma_start3A_76 : memref<1x4096xf32, #tpu.memory_space<hbm>>) target_semaphore(%arg15 : memref<!tpu.dma_semaphore, #tpu.memory_space<semaphore_mem>>)
      %dma_wait3A_77 = arith.constant 12288 : i32
      %dma_wait3A_78 = tpu.memref_slice %arg2[%add3A, %dma_wait3A_77] : memref<26x16384xi32, #tpu.memory_space<hbm>> -> memref<1x4096xi32, #tpu.memory_space<hbm>>
      %dma_wait3A_79 = arith.constant 12288 : i32
      %dma_wait3A_80 = tpu.memref_slice %arg2[%add3A, %dma_wait3A_79] : memref<26x16384xi32, #tpu.memory_space<hbm>> -> memref<1x4096xi32, #tpu.memory_space<hbm>>
      tpu.wait_dma2 semaphore(%arg14 : memref<!tpu.dma_semaphore, #tpu.memory_space<semaphore_mem>>) src(%dma_wait3A_80 : memref<1x4096xi32, #tpu.memory_space<hbm>>) dst(%arg9 : memref<1x4096xi32, #tpu.memory_space<vmem>>)
      %dma_wait3A_81 = arith.constant 4096 : i32
      %dma_wait3A_82 = tpu.memref_slice %arg6[%add3A, %dma_wait3A_81] : memref<26x16384xf32, #tpu.memory_space<hbm>> -> memref<1x4096xf32, #tpu.memory_space<hbm>>
      %dma_wait3A_83 = arith.constant 4096 : i32
      %dma_wait3A_84 = tpu.memref_slice %arg6[%add3A, %dma_wait3A_83] : memref<26x16384xf32, #tpu.memory_space<hbm>> -> memref<1x4096xf32, #tpu.memory_space<hbm>>
      tpu.wait_dma2 semaphore(%arg16 : memref<!tpu.dma_semaphore, #tpu.memory_space<semaphore_mem>>) src(%arg11 : memref<1x4096xf32, #tpu.memory_space<vmem>>) dst(%dma_wait3A_84 : memref<1x4096xf32, #tpu.memory_space<hbm>>)
      %scan3A_85 = arith.constant 0 : i32
      %scan3A_86 = arith.constant 0 : i32
      %scan3A_87 = arith.constant 32 : i32
      %scan3A_88 = arith.addi %scan3A_86, %scan3A_87 : i32
      %scan3A_89 = arith.constant 1 : i32
      scf.for %scan3A_103 = %scan3A_86 to %scan3A_88 step %scan3A_89  : i32 {
        %mul3A_104 = arith.constant 8 : i32
        %mul3A_105 = arith.muli %scan3A_103, %mul3A_104 : i32
        %add3A_106 = arith.constant 0 : i32
        %add3A_107 = arith.addi %mul3A_105, %add3A_106 : i32
        %mul3A_108 = arith.constant 16 : i32
        %mul3A_109 = arith.muli %add3A_107, %mul3A_108 : i32
        %get3A = arith.constant 0 : i32
        %get3A_110 = arith.index_cast %get3A : i32 to index
        %get3A_111 = arith.index_cast %mul3A_109 : i32 to index
        %get3A_112 = tpu.vector_load %arg9[%get3A_110, %get3A_111] {strides = array<i32>} : memref<1x4096xi32, #tpu.memory_space<vmem>>, vector<16xi32>,
        %gather3A = tpu.vector_load_idx %arg7[%broadcast_in_dim3A_1, %get3A_112] : memref<1x100000xf32, #tpu.memory_space<vmem>>[vector<16xi32>, vector<16xi32>], vector<16xf32>,
        %swap3A = arith.constant 0 : i32
        %swap3A_113 = arith.index_cast %swap3A : i32 to index
        %swap3A_114 = arith.index_cast %mul3A_109 : i32 to index
        %swap3A_115 = tpu.vector_load %arg11[%swap3A_113, %swap3A_114] {strides = array<i32>} : memref<1x4096xf32, #tpu.memory_space<vmem>>, vector<16xf32>,
        tpu.vector_store %arg11[%swap3A_113, %swap3A_114], %gather3A {strides = array<i32>} : memref<1x4096xf32, #tpu.memory_space<vmem>>, vector<16xf32>,
        %mul3A_116 = arith.constant 8 : i32
        %mul3A_117 = arith.muli %scan3A_103, %mul3A_116 : i32
        %add3A_118 = arith.constant 1 : i32
        %add3A_119 = arith.addi %mul3A_117, %add3A_118 : i32
        %mul3A_120 = arith.constant 16 : i32
        %mul3A_121 = arith.muli %add3A_119, %mul3A_120 : i32
        %get3A_122 = arith.constant 0 : i32
        %get3A_123 = arith.index_cast %get3A_122 : i32 to index
        %get3A_124 = arith.index_cast %mul3A_121 : i32 to index
        %get3A_125 = tpu.vector_load %arg9[%get3A_123, %get3A_124] {strides = array<i32>} : memref<1x4096xi32, #tpu.memory_space<vmem>>, vector<16xi32>,
        %gather3A_126 = tpu.vector_load_idx %arg7[%broadcast_in_dim3A_1, %get3A_125] : memref<1x100000xf32, #tpu.memory_space<vmem>>[vector<16xi32>, vector<16xi32>], vector<16xf32>,
        %swap3A_127 = arith.constant 0 : i32
        %swap3A_128 = arith.index_cast %swap3A_127 : i32 to index
        %swap3A_129 = arith.index_cast %mul3A_121 : i32 to index
        %swap3A_130 = tpu.vector_load %arg11[%swap3A_128, %swap3A_129] {strides = array<i32>} : memref<1x4096xf32, #tpu.memory_space<vmem>>, vector<16xf32>,
        tpu.vector_store %arg11[%swap3A_128, %swap3A_129], %gather3A_126 {strides = array<i32>} : memref<1x4096xf32, #tpu.memory_space<vmem>>, vector<16xf32>,
        %mul3A_131 = arith.constant 8 : i32
        %mul3A_132 = arith.muli %scan3A_103, %mul3A_131 : i32
        %add3A_133 = arith.constant 2 : i32
        %add3A_134 = arith.addi %mul3A_132, %add3A_133 : i32
        %mul3A_135 = arith.constant 16 : i32
        %mul3A_136 = arith.muli %add3A_134, %mul3A_135 : i32
        %get3A_137 = arith.constant 0 : i32
        %get3A_138 = arith.index_cast %get3A_137 : i32 to index
        %get3A_139 = arith.index_cast %mul3A_136 : i32 to index
        %get3A_140 = tpu.vector_load %arg9[%get3A_138, %get3A_139] {strides = array<i32>} : memref<1x4096xi32, #tpu.memory_space<vmem>>, vector<16xi32>,
        %gather3A_141 = tpu.vector_load_idx %arg7[%broadcast_in_dim3A_1, %get3A_140] : memref<1x100000xf32, #tpu.memory_space<vmem>>[vector<16xi32>, vector<16xi32>], vector<16xf32>,
        %swap3A_142 = arith.constant 0 : i32
        %swap3A_143 = arith.index_cast %swap3A_142 : i32 to index
        %swap3A_144 = arith.index_cast %mul3A_136 : i32 to index
        %swap3A_145 = tpu.vector_load %arg11[%swap3A_143, %swap3A_144] {strides = array<i32>} : memref<1x4096xf32, #tpu.memory_space<vmem>>, vector<16xf32>,
        tpu.vector_store %arg11[%swap3A_143, %swap3A_144], %gather3A_141 {strides = array<i32>} : memref<1x4096xf32, #tpu.memory_space<vmem>>, vector<16xf32>,
        %mul3A_146 = arith.constant 8 : i32
        %mul3A_147 = arith.muli %scan3A_103, %mul3A_146 : i32
        %add3A_148 = arith.constant 3 : i32
        %add3A_149 = arith.addi %mul3A_147, %add3A_148 : i32
        %mul3A_150 = arith.constant 16 : i32
        %mul3A_151 = arith.muli %add3A_149, %mul3A_150 : i32
        %get3A_152 = arith.constant 0 : i32
        %get3A_153 = arith.index_cast %get3A_152 : i32 to index
        %get3A_154 = arith.index_cast %mul3A_151 : i32 to index
        %get3A_155 = tpu.vector_load %arg9[%get3A_153, %get3A_154] {strides = array<i32>} : memref<1x4096xi32, #tpu.memory_space<vmem>>, vector<16xi32>,
        %gather3A_156 = tpu.vector_load_idx %arg7[%broadcast_in_dim3A_1, %get3A_155] : memref<1x100000xf32, #tpu.memory_space<vmem>>[vector<16xi32>, vector<16xi32>], vector<16xf32>,
        %swap3A_157 = arith.constant 0 : i32
        %swap3A_158 = arith.index_cast %swap3A_157 : i32 to index
        %swap3A_159 = arith.index_cast %mul3A_151 : i32 to index
        %swap3A_160 = tpu.vector_load %arg11[%swap3A_158, %swap3A_159] {strides = array<i32>} : memref<1x4096xf32, #tpu.memory_space<vmem>>, vector<16xf32>,
        tpu.vector_store %arg11[%swap3A_158, %swap3A_159], %gather3A_156 {strides = array<i32>} : memref<1x4096xf32, #tpu.memory_space<vmem>>, vector<16xf32>,
        %mul3A_161 = arith.constant 8 : i32
        %mul3A_162 = arith.muli %scan3A_103, %mul3A_161 : i32
        %add3A_163 = arith.constant 4 : i32
        %add3A_164 = arith.addi %mul3A_162, %add3A_163 : i32
        %mul3A_165 = arith.constant 16 : i32
        %mul3A_166 = arith.muli %add3A_164, %mul3A_165 : i32
        %get3A_167 = arith.constant 0 : i32
        %get3A_168 = arith.index_cast %get3A_167 : i32 to index
        %get3A_169 = arith.index_cast %mul3A_166 : i32 to index
        %get3A_170 = tpu.vector_load %arg9[%get3A_168, %get3A_169] {strides = array<i32>} : memref<1x4096xi32, #tpu.memory_space<vmem>>, vector<16xi32>,
        %gather3A_171 = tpu.vector_load_idx %arg7[%broadcast_in_dim3A_1, %get3A_170] : memref<1x100000xf32, #tpu.memory_space<vmem>>[vector<16xi32>, vector<16xi32>], vector<16xf32>,
        %swap3A_172 = arith.constant 0 : i32
        %swap3A_173 = arith.index_cast %swap3A_172 : i32 to index
        %swap3A_174 = arith.index_cast %mul3A_166 : i32 to index
        %swap3A_175 = tpu.vector_load %arg11[%swap3A_173, %swap3A_174] {strides = array<i32>} : memref<1x4096xf32, #tpu.memory_space<vmem>>, vector<16xf32>,
        tpu.vector_store %arg11[%swap3A_173, %swap3A_174], %gather3A_171 {strides = array<i32>} : memref<1x4096xf32, #tpu.memory_space<vmem>>, vector<16xf32>,
        %mul3A_176 = arith.constant 8 : i32
        %mul3A_177 = arith.muli %scan3A_103, %mul3A_176 : i32
        %add3A_178 = arith.constant 5 : i32
        %add3A_179 = arith.addi %mul3A_177, %add3A_178 : i32
        %mul3A_180 = arith.constant 16 : i32
        %mul3A_181 = arith.muli %add3A_179, %mul3A_180 : i32
        %get3A_182 = arith.constant 0 : i32
        %get3A_183 = arith.index_cast %get3A_182 : i32 to index
        %get3A_184 = arith.index_cast %mul3A_181 : i32 to index
        %get3A_185 = tpu.vector_load %arg9[%get3A_183, %get3A_184] {strides = array<i32>} : memref<1x4096xi32, #tpu.memory_space<vmem>>, vector<16xi32>,
        %gather3A_186 = tpu.vector_load_idx %arg7[%broadcast_in_dim3A_1, %get3A_185] : memref<1x100000xf32, #tpu.memory_space<vmem>>[vector<16xi32>, vector<16xi32>], vector<16xf32>,
        %swap3A_187 = arith.constant 0 : i32
        %swap3A_188 = arith.index_cast %swap3A_187 : i32 to index
        %swap3A_189 = arith.index_cast %mul3A_181 : i32 to index
        %swap3A_190 = tpu.vector_load %arg11[%swap3A_188, %swap3A_189] {strides = array<i32>} : memref<1x4096xf32, #tpu.memory_space<vmem>>, vector<16xf32>,
        tpu.vector_store %arg11[%swap3A_188, %swap3A_189], %gather3A_186 {strides = array<i32>} : memref<1x4096xf32, #tpu.memory_space<vmem>>, vector<16xf32>,
        %mul3A_191 = arith.constant 8 : i32
        %mul3A_192 = arith.muli %scan3A_103, %mul3A_191 : i32
        %add3A_193 = arith.constant 6 : i32
        %add3A_194 = arith.addi %mul3A_192, %add3A_193 : i32
        %mul3A_195 = arith.constant 16 : i32
        %mul3A_196 = arith.muli %add3A_194, %mul3A_195 : i32
        %get3A_197 = arith.constant 0 : i32
        %get3A_198 = arith.index_cast %get3A_197 : i32 to index
        %get3A_199 = arith.index_cast %mul3A_196 : i32 to index
        %get3A_200 = tpu.vector_load %arg9[%get3A_198, %get3A_199] {strides = array<i32>} : memref<1x4096xi32, #tpu.memory_space<vmem>>, vector<16xi32>,
        %gather3A_201 = tpu.vector_load_idx %arg7[%broadcast_in_dim3A_1, %get3A_200] : memref<1x100000xf32, #tpu.memory_space<vmem>>[vector<16xi32>, vector<16xi32>], vector<16xf32>,
        %swap3A_202 = arith.constant 0 : i32
        %swap3A_203 = arith.index_cast %swap3A_202 : i32 to index
        %swap3A_204 = arith.index_cast %mul3A_196 : i32 to index
        %swap3A_205 = tpu.vector_load %arg11[%swap3A_203, %swap3A_204] {strides = array<i32>} : memref<1x4096xf32, #tpu.memory_space<vmem>>, vector<16xf32>,
        tpu.vector_store %arg11[%swap3A_203, %swap3A_204], %gather3A_201 {strides = array<i32>} : memref<1x4096xf32, #tpu.memory_space<vmem>>, vector<16xf32>,
        %mul3A_206 = arith.constant 8 : i32
        %mul3A_207 = arith.muli %scan3A_103, %mul3A_206 : i32
        %add3A_208 = arith.constant 7 : i32
        %add3A_209 = arith.addi %mul3A_207, %add3A_208 : i32
        %mul3A_210 = arith.constant 16 : i32
        %mul3A_211 = arith.muli %add3A_209, %mul3A_210 : i32
        %get3A_212 = arith.constant 0 : i32
        %get3A_213 = arith.index_cast %get3A_212 : i32 to index
        %get3A_214 = arith.index_cast %mul3A_211 : i32 to index
        %get3A_215 = tpu.vector_load %arg9[%get3A_213, %get3A_214] {strides = array<i32>} : memref<1x4096xi32, #tpu.memory_space<vmem>>, vector<16xi32>,
        %gather3A_216 = tpu.vector_load_idx %arg7[%broadcast_in_dim3A_1, %get3A_215] : memref<1x100000xf32, #tpu.memory_space<vmem>>[vector<16xi32>, vector<16xi32>], vector<16xf32>,
        %swap3A_217 = arith.constant 0 : i32
        %swap3A_218 = arith.index_cast %swap3A_217 : i32 to index
        %swap3A_219 = arith.index_cast %mul3A_211 : i32 to index
        %swap3A_220 = tpu.vector_load %arg11[%swap3A_218, %swap3A_219] {strides = array<i32>} : memref<1x4096xf32, #tpu.memory_space<vmem>>, vector<16xf32>,
        tpu.vector_store %arg11[%swap3A_218, %swap3A_219], %gather3A_216 {strides = array<i32>} : memref<1x4096xf32, #tpu.memory_space<vmem>>, vector<16xf32>,
      }
      %scan3A_90 = arith.constant 32 : i32
      %dma_start3A_91 = arith.constant 12288 : i32
      %dma_start3A_92 = tpu.memref_slice %arg6[%add3A, %dma_start3A_91] : memref<26x16384xf32, #tpu.memory_space<hbm>> -> memref<1x4096xf32, #tpu.memory_space<hbm>>
      %dma_start3A_93 = arith.constant 12288 : i32
      %dma_start3A_94 = tpu.memref_slice %arg6[%add3A, %dma_start3A_93] : memref<26x16384xf32, #tpu.memory_space<hbm>> -> memref<1x4096xf32, #tpu.memory_space<hbm>>
      tpu.enqueue_dma source(%arg11 : memref<1x4096xf32, #tpu.memory_space<vmem>>) target(%dma_start3A_94 : memref<1x4096xf32, #tpu.memory_space<hbm>>) target_semaphore(%arg16 : memref<!tpu.dma_semaphore, #tpu.memory_space<semaphore_mem>>)
      %dma_wait3A_95 = arith.constant 8192 : i32
      %dma_wait3A_96 = tpu.memref_slice %arg6[%add3A, %dma_wait3A_95] : memref<26x16384xf32, #tpu.memory_space<hbm>> -> memref<1x4096xf32, #tpu.memory_space<hbm>>
      %dma_wait3A_97 = arith.constant 8192 : i32
      %dma_wait3A_98 = tpu.memref_slice %arg6[%add3A, %dma_wait3A_97] : memref<26x16384xf32, #tpu.memory_space<hbm>> -> memref<1x4096xf32, #tpu.memory_space<hbm>>
      tpu.wait_dma2 semaphore(%arg15 : memref<!tpu.dma_semaphore, #tpu.memory_space<semaphore_mem>>) src(%arg10 : memref<1x4096xf32, #tpu.memory_space<vmem>>) dst(%dma_wait3A_98 : memref<1x4096xf32, #tpu.memory_space<hbm>>)
      %dma_wait3A_99 = arith.constant 12288 : i32
      %dma_wait3A_100 = tpu.memref_slice %arg6[%add3A, %dma_wait3A_99] : memref<26x16384xf32, #tpu.memory_space<hbm>> -> memref<1x4096xf32, #tpu.memory_space<hbm>>
      %dma_wait3A_101 = arith.constant 12288 : i32
      %dma_wait3A_102 = tpu.memref_slice %arg6[%add3A, %dma_wait3A_101] : memref<26x16384xf32, #tpu.memory_space<hbm>> -> memref<1x4096xf32, #tpu.memory_space<hbm>>
      tpu.wait_dma2 semaphore(%arg16 : memref<!tpu.dma_semaphore, #tpu.memory_space<semaphore_mem>>) src(%arg11 : memref<1x4096xf32, #tpu.memory_space<vmem>>) dst(%dma_wait3A_102 : memref<1x4096xf32, #tpu.memory_space<hbm>>)
    } else {
    }
    return
  }
}

module attributes {stable_mosaic.version = 14 : i64} {
  func.func @body(%arg0: i32, %arg1: memref<832x1024xf32, #tpu.memory_space<vmem>>, %arg2: memref<13x1024xf32, #tpu.memory_space<vmem>>, %arg3: memref<26x1024xf32, #tpu.memory_space<vmem>>, %arg4: memref<13x32xf32, #tpu.memory_space<vmem>>, %arg5: memref<1x32xf32, #tpu.memory_space<vmem>>, %arg6: memref<832x512xf32, #tpu.memory_space<vmem>>, %arg7: memref<32x512xf32, #tpu.memory_space<vmem>>, %arg8: memref<1x512xf32, #tpu.memory_space<vmem>>, %arg9: memref<512x256xf32, #tpu.memory_space<vmem>>, %arg10: memref<1x256xf32, #tpu.memory_space<vmem>>, %arg11: memref<256x1xf32, #tpu.memory_space<vmem>>, %arg12: memref<1x1xf32, #tpu.memory_space<vmem>>, %arg13: memref<13x1xf32, #tpu.memory_space<vmem>>, %arg14: memref<1x1xf32, #tpu.memory_space<vmem>>, %arg15: memref<1x1xf32, #tpu.memory_space<vmem>>, %arg16: memref<1024x1xf32, #tpu.memory_space<vmem>>) attributes {dimension_semantics = [#tpu.dimension_semantics<arbitrary>], iteration_bounds = array<i64: 16>, scalar_prefetch = 0 : i64, scratch_operands = 0 : i64, tpu.core_type = #tpu.core_type<tc>, window_params = [{transform_indices = @transform_0, window_bounds = array<i64: 832, 1024>}, {transform_indices = @transform_1, window_bounds = array<i64: 13, 1024>}, {transform_indices = @transform_2, window_bounds = array<i64: 26, 1024>}, {pipeline_mode = #tpu.pipeline_mode<synchronous>, transform_indices = @transform_3, window_bounds = array<i64: 13, 32>}, {pipeline_mode = #tpu.pipeline_mode<synchronous>, transform_indices = @transform_4, window_bounds = array<i64: 1, 32>}, {pipeline_mode = #tpu.pipeline_mode<synchronous>, transform_indices = @transform_5, window_bounds = array<i64: 832, 512>}, {pipeline_mode = #tpu.pipeline_mode<synchronous>, transform_indices = @transform_6, window_bounds = array<i64: 32, 512>}, {pipeline_mode = #tpu.pipeline_mode<synchronous>, transform_indices = @transform_7, window_bounds = array<i64: 1, 512>}, {pipeline_mode = #tpu.pipeline_mode<synchronous>, transform_indices = @transform_8, window_bounds = array<i64: 512, 256>}, {pipeline_mode = #tpu.pipeline_mode<synchronous>, transform_indices = @transform_9, window_bounds = array<i64: 1, 256>}, {pipeline_mode = #tpu.pipeline_mode<synchronous>, transform_indices = @transform_10, window_bounds = array<i64: 256, 1>}, {pipeline_mode = #tpu.pipeline_mode<synchronous>, transform_indices = @transform_11, window_bounds = array<i64: 1, 1>}, {pipeline_mode = #tpu.pipeline_mode<synchronous>, transform_indices = @transform_12, window_bounds = array<i64: 13, 1>}, {pipeline_mode = #tpu.pipeline_mode<synchronous>, transform_indices = @transform_13, window_bounds = array<i64: 1, 1>}, {pipeline_mode = #tpu.pipeline_mode<synchronous>, transform_indices = @transform_14, window_bounds = array<i64: 1, 1>}, {transform_indices = @transform_15, window_bounds = array<i64: 1024, 1>}]} {
    %get3A = arith.constant 0 : index
    %get3A_0 = arith.constant 0 : index
    %get3A_1 = vector.load %arg2[%get3A, %get3A_0] : memref<13x1024xf32, #tpu.memory_space<vmem>>, vector<13x1024xf32>
    %get3A_2 = arith.constant 0 : index
    %get3A_3 = arith.constant 0 : index
    %get3A_4 = vector.load %arg4[%get3A_2, %get3A_3] : memref<13x32xf32, #tpu.memory_space<vmem>>, vector<13x32xf32>
    %dot_general3A = arith.constant dense<0.000000e+00> : vector<1024x32xf32>
    %dot_general3A_5 = tpu.matmul %get3A_1, %get3A_4, %dot_general3A {dimension_numbers = #tpu.dot_dimension_numbers<[0], [0], [1], [1], [0, 1, 1, 1], [], []>, transpose_lhs_hint = false} : vector<13x1024xf32>, vector<13x32xf32>, vector<1024x32xf32> -> vector<1024x32xf32>
    %get3A_6 = arith.constant 0 : index
    %get3A_7 = arith.constant 0 : index
    %get3A_8 = vector.load %arg5[%get3A_6, %get3A_7] : memref<1x32xf32, #tpu.memory_space<vmem>>, vector<1x32xf32>
    %add3A = vector.broadcast %get3A_8 : vector<1x32xf32> to vector<1024x32xf32>
    %add3A_9 = arith.addf %dot_general3A_5, %add3A : vector<1024x32xf32>
    %get3A_10 = arith.constant 0 : index
    %get3A_11 = arith.constant 0 : index
    %get3A_12 = vector.load %arg1[%get3A_10, %get3A_11] : memref<832x1024xf32, #tpu.memory_space<vmem>>, vector<832x1024xf32>
    %convert_element_type3A = arith.truncf %get3A_12 : vector<832x1024xf32> to vector<832x1024xbf16>
    %get3A_13 = arith.constant 0 : index
    %get3A_14 = arith.constant 0 : index
    %get3A_15 = vector.load %arg6[%get3A_13, %get3A_14] : memref<832x512xf32, #tpu.memory_space<vmem>>, vector<832x512xf32>
    %convert_element_type3A_16 = arith.truncf %get3A_15 : vector<832x512xf32> to vector<832x512xbf16>
    %dot_general3A_17 = arith.constant dense<0.000000e+00> : vector<1024x512xf32>
    %dot_general3A_18 = tpu.matmul %convert_element_type3A, %convert_element_type3A_16, %dot_general3A_17 {dimension_numbers = #tpu.dot_dimension_numbers<[0], [0], [1], [1], [0, 1, 1, 1], [], []>, transpose_lhs_hint = false} : vector<832x1024xbf16>, vector<832x512xbf16>, vector<1024x512xf32> -> vector<1024x512xf32>
    %get3A_19 = arith.constant 0 : index
    %get3A_20 = arith.constant 0 : index
    %get3A_21 = vector.load %arg7[%get3A_19, %get3A_20] : memref<32x512xf32, #tpu.memory_space<vmem>>, vector<32x512xf32>
    %dot_general3A_22 = arith.constant dense<0.000000e+00> : vector<1024x512xf32>
    %dot_general3A_23 = tpu.matmul %add3A_9, %get3A_21, %dot_general3A_22 {dimension_numbers = #tpu.dot_dimension_numbers<[1], [0], [0], [1], [0, 0, 1, 1], [], []>, transpose_lhs_hint = false} : vector<1024x32xf32>, vector<32x512xf32>, vector<1024x512xf32> -> vector<1024x512xf32>
    %add3A_24 = arith.addf %dot_general3A_18, %dot_general3A_23 : vector<1024x512xf32>
    %get3A_25 = arith.constant 0 : index
    %get3A_26 = arith.constant 0 : index
    %get3A_27 = vector.load %arg8[%get3A_25, %get3A_26] : memref<1x512xf32, #tpu.memory_space<vmem>>, vector<1x512xf32>
    %add3A_28 = vector.broadcast %get3A_27 : vector<1x512xf32> to vector<1024x512xf32>
    %add3A_29 = arith.addf %add3A_24, %add3A_28 : vector<1024x512xf32>
    %max3A = arith.constant 0.000000e+00 : f32
    %max3A_30 = vector.broadcast %max3A : f32 to vector<1024x512xf32>
    %max3A_31 = arith.maximumf %add3A_29, %max3A_30 : vector<1024x512xf32>
    %convert_element_type3A_32 = arith.truncf %max3A_31 : vector<1024x512xf32> to vector<1024x512xbf16>
    %get3A_33 = arith.constant 0 : index
    %get3A_34 = arith.constant 0 : index
    %get3A_35 = vector.load %arg9[%get3A_33, %get3A_34] : memref<512x256xf32, #tpu.memory_space<vmem>>, vector<512x256xf32>
    %convert_element_type3A_36 = arith.truncf %get3A_35 : vector<512x256xf32> to vector<512x256xbf16>
    %dot_general3A_37 = arith.constant dense<0.000000e+00> : vector<1024x256xf32>
    %dot_general3A_38 = tpu.matmul %convert_element_type3A_32, %convert_element_type3A_36, %dot_general3A_37 {dimension_numbers = #tpu.dot_dimension_numbers<[1], [0], [0], [1], [0, 0, 1, 1], [], []>, transpose_lhs_hint = false} : vector<1024x512xbf16>, vector<512x256xbf16>, vector<1024x256xf32> -> vector<1024x256xf32>
    %get3A_39 = arith.constant 0 : index
    %get3A_40 = arith.constant 0 : index
    %get3A_41 = vector.load %arg10[%get3A_39, %get3A_40] : memref<1x256xf32, #tpu.memory_space<vmem>>, vector<1x256xf32>
    %add3A_42 = vector.broadcast %get3A_41 : vector<1x256xf32> to vector<1024x256xf32>
    %add3A_43 = arith.addf %dot_general3A_38, %add3A_42 : vector<1024x256xf32>
    %max3A_44 = arith.constant 0.000000e+00 : f32
    %max3A_45 = vector.broadcast %max3A_44 : f32 to vector<1024x256xf32>
    %max3A_46 = arith.maximumf %add3A_43, %max3A_45 : vector<1024x256xf32>
    %convert_element_type3A_47 = arith.truncf %max3A_46 : vector<1024x256xf32> to vector<1024x256xbf16>
    %get3A_48 = arith.constant 0 : index
    %get3A_49 = arith.constant 0 : index
    %get3A_50 = vector.load %arg11[%get3A_48, %get3A_49] : memref<256x1xf32, #tpu.memory_space<vmem>>, vector<256x1xf32>
    %convert_element_type3A_51 = arith.truncf %get3A_50 : vector<256x1xf32> to vector<256x1xbf16>
    %dot_general3A_52 = arith.constant dense<0.000000e+00> : vector<1024x1xf32>
    %dot_general3A_53 = tpu.matmul %convert_element_type3A_47, %convert_element_type3A_51, %dot_general3A_52 {dimension_numbers = #tpu.dot_dimension_numbers<[1], [0], [0], [1], [0, 0, 1, 1], [], []>, transpose_lhs_hint = false} : vector<1024x256xbf16>, vector<256x1xbf16>, vector<1024x1xf32> -> vector<1024x1xf32>
    %get3A_54 = arith.constant 0 : index
    %get3A_55 = arith.constant 0 : index
    %get3A_56 = vector.load %arg12[%get3A_54, %get3A_55] : memref<1x1xf32, #tpu.memory_space<vmem>>, vector<1x1xf32>
    %add3A_57 = vector.broadcast %get3A_56 : vector<1x1xf32> to vector<1024x1xf32>
    %add3A_58 = arith.addf %dot_general3A_53, %add3A_57 : vector<1024x1xf32>
    %max3A_59 = arith.constant 0.000000e+00 : f32
    %max3A_60 = vector.broadcast %max3A_59 : f32 to vector<1024x1xf32>
    %max3A_61 = arith.maximumf %add3A_58, %max3A_60 : vector<1024x1xf32>
    %get3A_62 = arith.constant 0 : index
    %get3A_63 = arith.constant 0 : index
    %get3A_64 = vector.load %arg13[%get3A_62, %get3A_63] : memref<13x1xf32, #tpu.memory_space<vmem>>, vector<13x1xf32>
    %dot_general3A_65 = arith.constant dense<0.000000e+00> : vector<1024x1xf32>
    %dot_general3A_66 = tpu.matmul %get3A_1, %get3A_64, %dot_general3A_65 {dimension_numbers = #tpu.dot_dimension_numbers<[0], [0], [1], [1], [0, 1, 1, 1], [], []>, transpose_lhs_hint = false} : vector<13x1024xf32>, vector<13x1xf32>, vector<1024x1xf32> -> vector<1024x1xf32>
    %get3A_67 = arith.constant 0 : index
    %get3A_68 = arith.constant 0 : index
    %get3A_69 = vector.load %arg14[%get3A_67, %get3A_68] : memref<1x1xf32, #tpu.memory_space<vmem>>, vector<1x1xf32>
    %add3A_70 = vector.broadcast %get3A_69 : vector<1x1xf32> to vector<1024x1xf32>
    %add3A_71 = arith.addf %dot_general3A_66, %add3A_70 : vector<1024x1xf32>
    %get3A_72 = arith.constant 0 : index
    %get3A_73 = arith.constant 0 : index
    %get3A_74 = vector.load %arg3[%get3A_72, %get3A_73] : memref<26x1024xf32, #tpu.memory_space<vmem>>, vector<26x1024xf32>
    %broadcast_in_dim3A = arith.constant 1.000000e+00 : f32
    %broadcast_in_dim3A_75 = vector.broadcast %broadcast_in_dim3A : f32 to vector<26x1xf32>
    %dot_general3A_76 = arith.constant dense<0.000000e+00> : vector<1024x1xf32>
    %dot_general3A_77 = tpu.matmul %get3A_74, %broadcast_in_dim3A_75, %dot_general3A_76 {dimension_numbers = #tpu.dot_dimension_numbers<[0], [0], [1], [1], [0, 1, 1, 1], [], []>, transpose_lhs_hint = false} : vector<26x1024xf32>, vector<26x1xf32>, vector<1024x1xf32> -> vector<1024x1xf32>
    %get3A_78 = arith.constant 0 : index
    %get3A_79 = arith.constant 0 : index
    %get3A_80 = vector.load %arg15[%get3A_78, %get3A_79] : memref<1x1xf32, #tpu.memory_space<vmem>>, vector<1x1xf32>
    %add3A_81 = vector.broadcast %get3A_80 : vector<1x1xf32> to vector<1024x1xf32>
    %add3A_82 = arith.addf %add3A_81, %dot_general3A_77 : vector<1024x1xf32>
    %add3A_83 = arith.addf %add3A_82, %add3A_71 : vector<1024x1xf32>
    %add3A_84 = arith.addf %add3A_83, %max3A_61 : vector<1024x1xf32>
    %swap3A = arith.constant 0 : index
    %swap3A_85 = arith.constant 0 : index
    %swap3A_86 = vector.load %arg16[%swap3A, %swap3A_85] : memref<1024x1xf32, #tpu.memory_space<vmem>>, vector<1024x1xf32>
    tpu.vector_store %arg16[%swap3A, %swap3A_85], %add3A_84 {strides = array<i32>} : memref<1024x1xf32, #tpu.memory_space<vmem>>, vector<1024x1xf32>,
    return
  }
  func.func @transform_0(%arg0: i32) -> (i32, i32) {
    %c0_i32 = arith.constant 0 : i32
    %c0_i32_0 = arith.constant 0 : i32
    return %c0_i32, %arg0 : i32, i32
  }
  func.func @transform_1(%arg0: i32) -> (i32, i32) {
    %c0_i32 = arith.constant 0 : i32
    %c0_i32_0 = arith.constant 0 : i32
    return %c0_i32, %arg0 : i32, i32
  }
  func.func @transform_2(%arg0: i32) -> (i32, i32) {
    %c0_i32 = arith.constant 0 : i32
    %c0_i32_0 = arith.constant 0 : i32
    return %c0_i32, %arg0 : i32, i32
  }
  func.func @transform_3(%arg0: i32) -> (i32, i32) {
    %c0_i32 = arith.constant 0 : i32
    %c0_i32_0 = arith.constant 0 : i32
    %c0_i32_1 = arith.constant 0 : i32
    return %c0_i32, %c0_i32_0 : i32, i32
  }
  func.func @transform_4(%arg0: i32) -> (i32, i32) {
    %c0_i32 = arith.constant 0 : i32
    %c0_i32_0 = arith.constant 0 : i32
    %c0_i32_1 = arith.constant 0 : i32
    return %c0_i32, %c0_i32_0 : i32, i32
  }
  func.func @transform_5(%arg0: i32) -> (i32, i32) {
    %c0_i32 = arith.constant 0 : i32
    %c0_i32_0 = arith.constant 0 : i32
    %c0_i32_1 = arith.constant 0 : i32
    return %c0_i32, %c0_i32_0 : i32, i32
  }
  func.func @transform_6(%arg0: i32) -> (i32, i32) {
    %c0_i32 = arith.constant 0 : i32
    %c0_i32_0 = arith.constant 0 : i32
    %c0_i32_1 = arith.constant 0 : i32
    return %c0_i32, %c0_i32_0 : i32, i32
  }
  func.func @transform_7(%arg0: i32) -> (i32, i32) {
    %c0_i32 = arith.constant 0 : i32
    %c0_i32_0 = arith.constant 0 : i32
    %c0_i32_1 = arith.constant 0 : i32
    return %c0_i32, %c0_i32_0 : i32, i32
  }
  func.func @transform_8(%arg0: i32) -> (i32, i32) {
    %c0_i32 = arith.constant 0 : i32
    %c0_i32_0 = arith.constant 0 : i32
    %c0_i32_1 = arith.constant 0 : i32
    return %c0_i32, %c0_i32_0 : i32, i32
  }
  func.func @transform_9(%arg0: i32) -> (i32, i32) {
    %c0_i32 = arith.constant 0 : i32
    %c0_i32_0 = arith.constant 0 : i32
    %c0_i32_1 = arith.constant 0 : i32
    return %c0_i32, %c0_i32_0 : i32, i32
  }
  func.func @transform_10(%arg0: i32) -> (i32, i32) {
    %c0_i32 = arith.constant 0 : i32
    %c0_i32_0 = arith.constant 0 : i32
    %c0_i32_1 = arith.constant 0 : i32
    return %c0_i32, %c0_i32_0 : i32, i32
  }
  func.func @transform_11(%arg0: i32) -> (i32, i32) {
    %c0_i32 = arith.constant 0 : i32
    %c0_i32_0 = arith.constant 0 : i32
    %c0_i32_1 = arith.constant 0 : i32
    return %c0_i32, %c0_i32_0 : i32, i32
  }
  func.func @transform_12(%arg0: i32) -> (i32, i32) {
    %c0_i32 = arith.constant 0 : i32
    %c0_i32_0 = arith.constant 0 : i32
    %c0_i32_1 = arith.constant 0 : i32
    return %c0_i32, %c0_i32_0 : i32, i32
  }
  func.func @transform_13(%arg0: i32) -> (i32, i32) {
    %c0_i32 = arith.constant 0 : i32
    %c0_i32_0 = arith.constant 0 : i32
    %c0_i32_1 = arith.constant 0 : i32
    return %c0_i32, %c0_i32_0 : i32, i32
  }
  func.func @transform_14(%arg0: i32) -> (i32, i32) {
    %c0_i32 = arith.constant 0 : i32
    %c0_i32_0 = arith.constant 0 : i32
    %c0_i32_1 = arith.constant 0 : i32
    return %c0_i32, %c0_i32_0 : i32, i32
  }
  func.func @transform_15(%arg0: i32) -> (i32, i32) {
    %c0_i32 = arith.constant 0 : i32
    %c0_i32_0 = arith.constant 0 : i32
    return %arg0, %c0_i32 : i32, i32
  }
}

</mosaic_0001>

<sc_bundles>
// kernel: kernel.4.cloned.1.call-start
scs
__scs_entry_jumppad:
0x0: {  	(pc) =	sbr.rel $0x88, $3  }
0x1: {  	(tag) =	ssettag $0x0;
	lr =	simm.s32 $0x1  }
0x2: {  	[smem:$0x3F92] =	sst lr;
	_ =	strace $0xD0000000  }
0x3: {  	_ = 	snop  }
0x4: {  	_ = 	snop  }
0x5: {  	_ = 	snop  }
0x6: {  	_ = 	snop  }
0x7: {  	_ = 	snop  }
__scs_overlays_trampoline_lowered:
0x8: {  	[smem:$0x3FA1] =	sst s0  }
0x9: {  	[smem:$0x3FA2] =	sst s1  }
0xa: {  	[smem:$0x3FA3] =	sst s2  }
0xb: {  	[smem:$0x3FA4] =	sst s3  }
0xc: {  	[smem:$0x3FA5] =	sst s4  }
0xd: {  	[smem:$0x3FA6] =	sst s5  }
0xe: {  	[smem:$0x3FA7] =	sst s6  }
0xf: {  	[smem:$0x3FA8] =	sst s7  }
0x10: {  	[smem:$0x3FA9] =	sst s8  }
0x11: {  	[smem:$0x3FAA] =	sst s9;
	s0 =	simm.s32 @!p0 $0x0  }
0x12: {  	s1 =	sld [smem:$0x3F90];
	s0 =	simm.s32 @p0 $0x1  }
0x13: {  	[smem:$0x3FAB] =	sst s0;
	s0 =	simm.s32 @!p1 $0x0  }
0x14: {  	s2 =	sld [smem:$0x3F8F];
	s0 =	simm.s32 @p1 $0x1  }
0x15: {  	[smem:$0x3FAC] =	sst s0;
	s0 =	simm.s32 @!p2 $0x0  }
0x16: {  	s3 =	sld [smem:$0x3FDB];
	s0 =	simm.s32 @p2 $0x1  }
0x17: {  	s4 =	simm.s32 $0x1BF5;
	[smem:$0x3FAE] =	sst s0  }
0x18: {  	s0 =	sld [smem:$0x3F91];
	_ =	swait.ge [sflag:s4], $0x0  }
0x19: {  	s7 =	sld [smem:$0x3F92]  }
0x1a: {  	s8 =	sadd.s32 $0xFFFFE003, lr  }
0x1b: {  	s9 =	sadd.s32 $0xFFFFFEF7, lr;
	s5 =	simm.s32 $0xFFFFFFFF;
	p2 =	slt.u32 s8, $0xFFFFF086  }
0x1c: {  	p1 =	slt.u32 s9, $0xF7A;
	s5 =	simm.s32 @!p2 $0x0  }
0x1d: {  	s5 =	simm.s32 @p1 $0x1;
	p0 =	seq.s32 s7, s2  }
0x1e: {  	s7 =	smul.u32 @!p0 $0xF7A, s2;
	p2 =	seq.s32 @!p0 s5, $0x0  }
0x1f: {  	s9 =	smul.u32 $0xF7A, s1;
	s8 =	simm.s32 @!p0 $0x1BF5;
	p2 =	por !p2, p0  }
0x20: {  	[sflag:s8] =	ssyncset.s32 @!p0 $0xFFFFF086;
	s6 =	sadd.s32 @!p0 s3, s7;
	s7 =	simm.s32 @!p0 $0x108  }
0x21: {  	s3 =	sadd.s32 s3, s9;
	s6 =	sadd.s32 @!p0 $0x88, s6;
	s7 =	simm.s32 @p2 $0x1082  }
0x22: {  	[simem:s7], [sflag:s8] =	dma.local @!p0 [hbm:s6], $0xF7A  }
0x23: {  	s9 =	sor.u32 $0xD0000000, s2;
	s6 =	simm.s32 $0x108;
	_ =	swait.ge @!p0 [sflag:s8], $0x0  }
0x24: {  	s3 =	sadd.s32 $0x88, s3;
	s6 =	simm.s32 @!p1 $0x1082;
	[sflag:s4] =	ssyncset.s32 $0xFFFFF086  }
0x25: {  	[simem:s6], [sflag:s4] =	dma.local [hbm:s3], $0xF7A  }
0x26: {  	[smem:$0x3F92] =	sst s1;
	(tag) =	ssettag s2;
	_ =	strace s9  }
0x27: {  	s1 =	sld [smem:$0x3FA2]  }
0x28: {  	s2 =	sld [smem:$0x3FA3]  }
0x29: {  	s4 =	sld [smem:$0x3FA5]  }
0x2a: {  	p0 =	seq.s32 s5, $0x0;
	s5 =	sld [smem:$0x3FA6]  }
0x2b: {  	s6 =	sld [smem:$0x3FA7]  }
0x2c: {  	s7 =	sld [smem:$0x3FA8]  }
0x2d: {  	s3 =	simm.s32 $0x108;
	s8 =	sld [smem:$0x3FA9]  }
0x2e: {  	s3 =	simm.s32 @!p0 $0x1082;
	s9 =	sld [smem:$0x3FAA]  }
0x2f: {  	lr =	sadd.s32 s0, s3;
	s0 =	sld [smem:$0x3FA1]  }
0x30: {  	s3 =	sld [smem:$0x3FA4]  }
0x31: {  	[smem:$0x3FAD] =	sst s10  }
0x32: {  	s10 =	sld [smem:$0x3FAB];
	_ =	sdelay $0x3  }
0x33: {  	p0 =	seq.s32 s10, $0x1;
	s10 =	sld [smem:$0x3FAD];
	_ =	sdelay $0x3  }
0x34: {  	[smem:$0x3FAD] =	sst s10  }
0x35: {  	s10 =	sld [smem:$0x3FAC];
	_ =	sdelay $0x3  }
0x36: {  	p1 =	seq.s32 s10, $0x1;
	s10 =	sld [smem:$0x3FAD];
	_ =	sdelay $0x3  }
0x37: {  	[smem:$0x3FAD] =	sst s10  }
0x38: {  	s10 =	sld [smem:$0x3FAE]  }
0x39: {  	_ = 	snop;
	(pc) =	sbr.ind lr, $3  }
0x3a: {  	_ = 	snop  }
0x3b: {  	_ = 	snop  }
0x3c: {  	p2 =	seq.s32 s10, $0x1;
	s10 =	sld [smem:$0x3FAD]  }
0x3d: {  	_ =	shalt  }
0x3e: {  	_ =	shalt  }
0x3f: {  	_ =	shalt  }
0x40: {  	_ =	shalt  }
0x41: {  	_ =	shalt  }
0x42: {  	_ =	shalt  }
0x43: {  	_ =	shalt  }
0x44: {  	_ =	shalt  }
0x45: {  	_ =	shalt  }
0x46: {  	_ =	shalt  }
0x47: {  	_ =	shalt  }
0x48: {  	_ =	shalt  }
0x49: {  	_ =	shalt  }
0x4a: {  	_ =	shalt  }
0x4b: {  	_ =	shalt  }
0x4c: {  	_ =	shalt  }
0x4d: {  	_ =	shalt  }
0x4e: {  	_ =	shalt  }
0x4f: {  	_ =	shalt  }
0x50: {  	_ =	shalt  }
0x51: {  	_ =	shalt  }
0x52: {  	_ =	shalt  }
0x53: {  	_ =	shalt  }
0x54: {  	_ =	shalt  }
0x55: {  	_ =	shalt  }
0x56: {  	_ =	shalt  }
0x57: {  	_ =	shalt  }
0x58: {  	_ =	shalt  }
0x59: {  	_ =	shalt  }
0x5a: {  	_ =	shalt  }
0x5b: {  	_ =	shalt  }
0x5c: {  	_ =	shalt  }
0x5d: {  	_ =	shalt  }
0x5e: {  	_ =	shalt  }
0x5f: {  	_ =	shalt  }
0x60: {  	_ =	shalt  }
0x61: {  	_ =	shalt  }
0x62: {  	_ =	shalt  }
0x63: {  	_ =	shalt  }
0x64: {  	_ =	shalt  }
0x65: {  	_ =	shalt  }
0x66: {  	_ =	shalt  }
0x67: {  	_ =	shalt  }
0x68: {  	_ =	shalt  }
0x69: {  	_ =	shalt  }
0x6a: {  	_ =	shalt  }
0x6b: {  	_ =	shalt  }
0x6c: {  	_ =	shalt  }
0x6d: {  	_ =	shalt  }
0x6e: {  	_ =	shalt  }
0x6f: {  	_ =	shalt  }
0x70: {  	_ =	shalt  }
0x71: {  	_ =	shalt  }
0x72: {  	_ =	shalt  }
0x73: {  	_ =	shalt  }
0x74: {  	_ =	shalt  }
0x75: {  	_ =	shalt  }
0x76: {  	_ =	shalt  }
0x77: {  	_ =	shalt  }
0x78: {  	_ =	shalt  }
0x79: {  	_ =	shalt  }
0x7a: {  	_ =	shalt  }
0x7b: {  	_ =	shalt  }
0x7c: {  	_ =	shalt  }
0x7d: {  	_ =	shalt  }
0x7e: {  	_ =	shalt  }
0x7f: {  	_ =	shalt  }
0x80: {  	_ =	shalt  }
0x81: {  	_ =	shalt  }
0x82: {  	_ =	shalt  }
0x83: {  	_ =	shalt  }
0x84: {  	_ =	shalt  }
0x85: {  	_ =	shalt  }
0x86: {  	_ =	shalt  }
0x87: {  	_ =	shalt  }
.Lfunc_end0:
.L_simem_size_0:
called_computation_lowered:
.L_overlay_start_0:
0x88: {  	s2 =	sld [smem:$0x3FD9]  }
0x89: {  	s3 =	sld [smem:$0x3FFE];
	_ =	sdelay $0x1  }
0x8a: {  	s1 =	srdreg.scid  }
0x8b: {  	s0 =	sand.u32 $0x1, s1  }
0x8c: {  	s17 =	sshll.u32 s0, $0xA;
	s2 =	sadd.s32 s3, s2  }
0x8d: {  	s2 =	sadd.s32 s2, s17  }
0x8e: {  	[smem:$0x3FB9] =	sst s2  }
0x8f: {  	_ = 	snop  }
0x90: {  	s2 =	sld [smem:$0x3FC9]  }
0x91: {  	s18 =	sld [smem:$0x3FC4];
	(tm) =	ssettm $0x1  }
0x92: {  	s4 =	sld [smem:$0x3FFB];
	_ =	sdelay $0x3  }
0x93: {  	_ =	strace s4  }
0x94: {  	s4 =	sld [smem:$0x3FFC];
	_ =	sdelay $0x3  }
0x95: {  	_ =	strace s4  }
0x96: {  	s4 =	sld [smem:$0x3FFD];
	_ =	sdelay $0x3  }
0x97: {  	_ =	strace s4  }
0x98: {  	_ =	strace $0x8FFFFFFF  }
0x99: {  	s19 =	sld [smem:$0x3FDB];
	_ =	sdelay $0x1  }
0x9a: {  	s5 =	simm.s32 $_scs_section_size  }
0x9b: {  	s6 =	simm.s32 $_size__tile_overlayer_lowered;
	s7 =	simm.s32 $_tile_overlayer_lowered  }
0x9c: {  	s22 =	simm.s32 $0x1BFF;
	s21 =	sshll.u32 s7, $0x1;
	s4 =	sadd.s32 s5, s19  }
0x9d: {  	s8 =	simm.s32 $0x0;
	s20 =	sshll.u32 s6, $0x1;
	s6 =	sadd.s32 s21, s4  }
0x9e: {  	[timem:s8], [sflag:s22] =	dma.local [hbm:s6], s20  }
0x9f: {  	_ =	swait.ge [sflag:s22], s20  }
0xa0: {  	s5 =	ssub.s32 $0x0, s20;
	[sflag:s22] =	ssyncset.done $0x0  }
0xa1: {  	[sflag:s22] =	ssyncadd.s32 s5;
	_ =	sdelay $0x1  }
0xa2: {  	s23 =	simm.s32 $0x1B8B  }
0xa3: {  	_ =	swait.ge [sflag:s23], $0x1  }
0xa4: {  	[sflag:s23] =	ssyncset.done $0x0  }
0xa5: {  	s25 =	simm.s32 $0x1B8E;
	s24 =	sld [smem:$0x3FFE];
	[sflag:s23] =	ssyncadd.s32 $0xFFFFFFFF  }
0xa6: {  	s26 =	simm.s32 $execute0_lowered;
	[smem:$0x3FD2] =	sst s25  }
0xa7: {  	s6 =	sshll.u32 s26, $0x1;
	_ =	strace $0x80000046;
	[dreg:$0x1] =	wrdreg $0xFFFFFFFF  }
0xa8: {  	s28 =	simm.s32 $_size_execute0_lowered;
	s4 =	sadd.s32 s4, s6;
	[dreg:$0x0] =	wrdreg $0x0  }
0xa9: {  	s6 =	sshll.u32 s28, $0x1;
	[dreg:$0x2] =	wrdreg s4  }
0xaa: {  	[dreg:$0x3] =	wrdreg s6  }
0xab: {  	[dreg:$0x4] =	wrdreg $0xC0  }
0xac: {  	_ =	task [dreg:s8], $0x5FFFF  }
0xad: {  	[dreg:$0x1] =	wrdreg $0xFFFFFFFF  }
0xae: {  	[dreg:$0x0] =	wrdreg $0x60  }
0xaf: {  	[dreg:$0x2] =	wrdreg s2  }
0xb0: {  	[dreg:$0x3] =	wrdreg s18  }
0xb1: {  	[dreg:$0x4] =	wrdreg s24  }
0xb2: {  	[dreg:$0x5] =	wrdreg $0x9  }
0xb3: {  	_ =	task.clear_ibuf [dreg:s8], $0x6FFFF;
	_ =	strace $0x90000046  }
0xb4: {  	s29 =	simm.s32 $0x9;
	_ =	strace $0x80000048  }
0xb5: {  	_ =	swait.ge [sflag:s29], $0x1  }
0xb6: {  	[sflag:s29] =	ssyncadd.s32 $0xFFFFFFFF  }
0xb7: {  	_ =	strace $0x90000048  }
0xb8: {  	_ =	sfence  }
0xb9: {  	s30 =	sld [smem:$0x0];
	_ =	sdelay $0x2  }
0xba: {  	s31 =	sshll.u32 s1, $0xD;
	s1 =	sshrl.u32 s1, $0x2  }
0xbb: {  	s3 =	sand.u32 $0x4000, s31;
	s1 =	sadd.s32 s1, s30  }
0xbc: {  	s0 =	sor.u32 s3, s0;
	s1 =	sshll.u32 s1, $0x11  }
0xbd: {  	s0 =	sor.u32 s1, s0  }
0xbe: {  	s0 =	sadd.s32 $0x8F2B, s0  }
0xbf: {  	[sflag:s0] =	ssyncadd.remote.s32 $0x1  }
0xc0: {  	_ =	sfence.sel $0xFFFF  }
0xc1: {  	[dreg:$0x0] =	wrdreg $0xFFFFFFFF;
	(pc) =	sbr.abs _section_cstart, $3  }
0xc2: {  	[dreg:$0x1] =	wrdreg $0xFFFFFFFF  }
0xc3: {  	_ =	task.clear_ibuf [dreg:s8], $0x2FFFF;
	_ =	strace $0x9FFFFFFF  }
0xc4: {  	(tm) =	ssettm $0x7FFFFFFF  }
0xc5: {  	_ =	shalt  }
tec
execute0_lowered:
.L_overlay_start_1:
0x0: {  	(tag) =	ssettag $0x1  }
0x1: {  	s2 =	rddreg [dreg:$0x0]  }
0x2: {  	s0 =	srdreg.scid;
	s4 =	rddreg [dreg:$0x1]  }
0x3: {  	s17 =	stileid.u32;
	s13 =	rddreg [dreg:$0x2]  }
0x4: {  	s6 =	simm.s32 $0x0;
	s28 =	simm.s32 $0x19700;
	s29 =	simm.s32 $0x1  }
0x5: {  	s30 =	simm.s32 $0x2;
	s31 =	simm.s32 $0x1A700;
	s0 =	sand.u32 $0x1, s0  }
0x6: {  	s1 =	sshll.u32 s17, $0x1;
	s9 =	sshrl.u32 s17, $0x2;
	[smem:$0x7FF] =	sst s6  }
0x7: {  	s14 =	sadd.s32 $0x63800, s13;
	s10 =	sadd.s32 $0x3000, s2;
	s12 =	sadd.s32 $0x75800, s13  }
0x8: {  	p0 =	sgt.u32 s17, $0xC;
	s3 =	sor.u32 s0, s1;
	s7 =	smul.u32 $0xC3800, s9  }
0x9: {  	_ =	strace $0x80000047;
	s0 =	ssub.s32 $0x2, s0;
	s11 =	sshll.u32 s9, $0x11  }
0xa: {  	s9 =	sadd.s32 $0x2000, s2;
	s3 =	sshll.u32 s3, $0x7;
	s8 =	sshrl.u32 s0, $0x1  }
0xb: {  	s5 =	sand.u32 $0x380, s3;
	s0 =	ssub.s32 s0, s8;
	s8 =	sadd.s32 $0x1000, s2  }
0xc: {  	s3 =	sor.u32 s7, s5;
	s7 =	sadd.s32 $0x73800, s13;
	s15 =	sor.u32 s11, s5  }
0xd: {  	s11 =	sadd.s32 $0x74800, s13;
	s3 =	sshrl.u32 s3, $0x3;
	s15 =	sshrl.u32 s15, $0x3  }
0xe: {  	s3 =	sadd.s32 s3, s13;
	s13 =	sadd.s32 $0x76800, s13;
	s16 =	sadd.s32 s2, s15  }
0xf: {  	s20 =	sor.u32 $0x1000, s15;
	s23 =	sadd.s32 s14, s15;
	[dreg:$0x5] =	wrdreg s16  }
0x10: {  	s22 =	sor.u32 $0x2000, s15;
	s3 =	sadd.s32 $0x1C00, s3;
	[dreg:$0x8] =	wrdreg s23  }
0x11: {  	s15 =	sor.u32 $0x3000, s15;
	s21 =	sadd.s32 s2, s20;
	[dreg:$0x4] =	wrdreg s3  }
0x12: {  	s18 =	sadd.s32 s2, s22;
	s24 =	sadd.s32 s2, s15;
	[dreg:$0x6] =	wrdreg s21  }
0x13: {  	s25 =	sadd.s32 s14, s22;
	s26 =	sadd.s32 s14, s15;
	[dreg:$0x7] =	wrdreg s18  }
.Ltmp0:
0x14: {  	s23 =	smax.u32 s0, $0x1;
	[dreg:$0x9] =	wrdreg s24;
	(pc) =	sbr.rel .LBB2_1-.Ltmp0, $4  }
0x15: {  	s0 =	simm.s32 $0x1B700;
	s15 =	simm.s32 $0x5;
	[dreg:$0xb] =	wrdreg s25  }
0x16: {  	s16 =	simm.s32 $0x0;
	s3 =	sadd.s32 s14, s20;
	[dreg:$0xc] =	wrdreg s26  }
0x17: {  	s24 =	simm.s32 $0x80;
	s25 =	simm.s32 $0x400;
	s26 =	simm.s32 $0x18700  }
0x18: {  	s14 =	simm.s32 $0x4;
	[dreg:$0xa] =	wrdreg s3;
	s3 =	simm.s32 $0x3  }
.LBB2_21:
0x19: {  	s16 =	sadd.s32 $0x1, s16  }
0x1a: {  	p1 =	sne.s32 s16, s23  }
.Ltmp1:
0x1b: {  	_ = 	snop;
	(pc) =	sbr.rel @!p1 .LBB2_22-.Ltmp1, $1  }
0x1c: {  	_ =	sdelay $0x3  }
.LBB2_1:
0x1d: {  	s17 =	simm.s32 $0x0  }
.LBB2_2:
0x1e: {  	s18 =	sshll.u32 s17, $0x5  }
0x1f: {  	s18 =	sor.u32 s1, s18  }
0x20: {  	s18 =	sshrl.u32 s18, $0x3  }
0x21: {  	s19 =	smul.u32 $0xC3800, s18;
	_ =	sdelay $0x1  }
0x22: {  	s19 =	sor.u32 s5, s19  }
0x23: {  	s19 =	sshrl.u32 s19, $0x3  }
0x24: {  	s20 =	simm.s32 $0x0;
	s19 =	sadd.s32 s4, s19  }
0x25: {  	[tilespmem:s20], [sflag:$0x1] =	stream.strided.gather [hbm4b:s19+s24], $0x18700, s25, s24, $0x38;
	[tilespmem:$0x1C700] =	vst v63  }
0x26: {  	s21 =	sshll.u32 s17, $0x4;
	s20 =	sshll.u32 s17, $0xB  }
0x27: {  	s19 =	sand.u32 $0xC000, s20;
	s20 =	sand.u32 $0x70, s21  }
0x28: {  	s19 =	sor.u32 s20, s19  }
0x29: {  	s20 =	sadd.s32 s2, s19  }
0x2a: {  	[tilespmem:s26], [sflag:$0x2] =	stream.strided.gather [hbm4b:s20+s24], $0x1000, s25, s24, $0x38;
	[tilespmem:$0x1C700] =	vst v63  }
0x2b: {  	s22 =	sadd.s32 s19, s8  }
0x2c: {  	[tilespmem:s28], [sflag:$0x3] =	stream.strided.gather [hbm4b:s22+s24], $0x1000, s25, s24, $0x38;
	[tilespmem:$0x1C700] =	vst v63  }
0x2d: {  	_ =	swait.ge [sflag:s29], $0x18700  }
0x2e: {  	[sflag:s29] =	ssyncset.done $0x0  }
0x2f: {  	[sflag:s29] =	ssyncadd.s32 $0xFFFE7900  }
0x30: {  	_ =	swait.ge [sflag:s30], $0x1000  }
0x31: {  	[sflag:s30] =	ssyncset.done $0x0  }
0x32: {  	s20 =	simm.s32 $0x0;
	[sflag:s30] =	ssyncadd.s32 $0xFFFFF000  }
0x33: {  	v0 =	vld [tilespmem:s20+$0x18700];
	_ =	sdelay $0x5  }
0x34: {  	v1 =	vld [tilespmem:s20+$0x18710];
	_ =	sdelay $0x1  }
0x35: {  	v0 =	vld.idx.msk [tilespmem:v0+s6+$0x0], $0xffff;
	_ =	sdelay $0x4  }
0x36: {  	[tilespmem:s20+$0x1A700] =	vst v0;
	v0 =	vld [tilespmem:s20+$0x18720]  }
0x37: {  	v1 =	vld.idx.msk [tilespmem:v1+s6+$0x0], $0xffff;
	_ =	sdelay $0x4  }
0x38: {  	[tilespmem:s20+$0x1A710] =	vst v1;
	v1 =	vld [tilespmem:s20+$0x18730];
	_ =	sdelay $0x1  }
0x39: {  	v0 =	vld.idx.msk [tilespmem:v0+s6+$0x0], $0xffff;
	_ =	sdelay $0x4  }
0x3a: {  	[tilespmem:s20+$0x1A720] =	vst v0;
	v0 =	vld [tilespmem:s20+$0x18740]  }
0x3b: {  	v1 =	vld.idx.msk [tilespmem:v1+s6+$0x0], $0xffff;
	_ =	sdelay $0x4  }
0x3c: {  	[tilespmem:s20+$0x1A730] =	vst v1;
	v1 =	vld [tilespmem:s20+$0x18750];
	_ =	sdelay $0x1  }
0x3d: {  	v0 =	vld.idx.msk [tilespmem:v0+s6+$0x0], $0xffff;
	_ =	sdelay $0x4  }
0x3e: {  	v2 =	vld [tilespmem:s20+$0x18760];
	[tilespmem:s20+$0x1A740] =	vst v0  }
0x3f: {  	v0 =	vld.idx.msk [tilespmem:v1+s6+$0x0], $0xffff;
	_ =	sdelay $0x4  }
0x40: {  	[tilespmem:s20+$0x1A750] =	vst v0;
	v0 =	vld [tilespmem:s20+$0x18770];
	_ =	sdelay $0x1  }
0x41: {  	v1 =	vld.idx.msk [tilespmem:v2+s6+$0x0], $0xffff;
	_ =	sdelay $0x3  }
0x42: {  	s21 =	simm.s32 $0x400;
	s22 =	simm.s32 $0x80  }
.LBB2_3:
0x43: {  	p1 =	sne.s32 s21, $0x3E00;
	v2 =	vld [tilespmem:s22+$0x18700];
	[tilespmem:s20+$0x1A760] =	vst v1  }
0x44: {  	v0 =	vld.idx.msk [tilespmem:v0+s6+$0x0], $0xffff;
	_ =	sdelay $0x5  }
0x45: {  	v1 =	vld [tilespmem:s22+$0x18710];
	[tilespmem:s20+$0x1A770] =	vst v0;
	s20 =	smov.u32 s22  }
0x46: {  	v0 =	vld.idx.msk [tilespmem:v2+s6+$0x0], $0xffff;
	_ =	sdelay $0x5  }
0x47: {  	[tilespmem:s20+$0x1A700] =	vst v0;
	v0 =	vld [tilespmem:s20+$0x18720]  }
0x48: {  	v1 =	vld.idx.msk [tilespmem:v1+s6+$0x0], $0xffff;
	_ =	sdelay $0x5  }
0x49: {  	[tilespmem:s20+$0x1A710] =	vst v1;
	v1 =	vld [tilespmem:s20+$0x18730]  }
0x4a: {  	v0 =	vld.idx.msk [tilespmem:v0+s6+$0x0], $0xffff;
	_ =	sdelay $0x5  }
0x4b: {  	[tilespmem:s20+$0x1A720] =	vst v0;
	v0 =	vld [tilespmem:s20+$0x18740]  }
0x4c: {  	v1 =	vld.idx.msk [tilespmem:v1+s6+$0x0], $0xffff;
	_ =	sdelay $0x5  }
0x4d: {  	[tilespmem:s20+$0x1A730] =	vst v1;
	v1 =	vld [tilespmem:s20+$0x18750]  }
0x4e: {  	v0 =	vld.idx.msk [tilespmem:v0+s6+$0x0], $0xffff;
	_ =	sdelay $0x5  }
0x4f: {  	[tilespmem:s20+$0x1A740] =	vst v0;
	v2 =	vld [tilespmem:s20+$0x18760]  }
0x50: {  	v0 =	vld.idx.msk [tilespmem:v1+s6+$0x0], $0xffff;
	_ =	sdelay $0x5  }
0x51: {  	[tilespmem:s20+$0x1A750] =	vst v0;
	v0 =	vld [tilespmem:s20+$0x18770]  }
0x52: {  	v1 =	vld.idx.msk [tilespmem:v2+s6+$0x0], $0xffff  }
.Ltmp2:
0x53: {  	(pc) =	sbr.rel @p1 .LBB2_3-.Ltmp2, $2  }
0x54: {  	_ =	sdelay $0x2  }
0x55: {  	s22 =	sshra.s32 s21, $0x2;
	s21 =	sadd.s32 $0x200, s21  }
0x56: {  	_ =	sdelay $0x1  }
0x57: {  	v2 =	vld [tilespmem:s22+$0x18700]  }
0x58: {  	[tilespmem:s20+$0x1A760] =	vst v1  }
0x59: {  	v0 =	vld.idx.msk [tilespmem:v0+s6+$0x0], $0xffff;
	_ =	sdelay $0x3  }
0x5a: {  	v1 =	vld [tilespmem:s22+$0x18710]  }
0x5b: {  	[tilespmem:s20+$0x1A770] =	vst v0  }
0x5c: {  	v0 =	vld.idx.msk [tilespmem:v2+s6+$0x0], $0xffff;
	_ =	sdelay $0x4  }
0x5d: {  	[tilespmem:s22+$0x1A700] =	vst v0;
	v0 =	vld [tilespmem:s22+$0x18720]  }
0x5e: {  	v1 =	vld.idx.msk [tilespmem:v1+s6+$0x0], $0xffff;
	_ =	sdelay $0x4  }
0x5f: {  	[tilespmem:s22+$0x1A710] =	vst v1;
	v1 =	vld [tilespmem:s22+$0x18730];
	_ =	sdelay $0x1  }
0x60: {  	v0 =	vld.idx.msk [tilespmem:v0+s6+$0x0], $0xffff;
	_ =	sdelay $0x4  }
0x61: {  	[tilespmem:s22+$0x1A720] =	vst v0;
	v0 =	vld [tilespmem:s22+$0x18740]  }
0x62: {  	v1 =	vld.idx.msk [tilespmem:v1+s6+$0x0], $0xffff;
	_ =	sdelay $0x4  }
0x63: {  	[tilespmem:s22+$0x1A730] =	vst v1;
	v1 =	vld [tilespmem:s22+$0x18750];
	_ =	sdelay $0x1  }
0x64: {  	v0 =	vld.idx.msk [tilespmem:v0+s6+$0x0], $0xffff;
	_ =	sdelay $0x4  }
0x65: {  	[tilespmem:s22+$0x1A740] =	vst v0;
	v0 =	vld [tilespmem:s22+$0x18760]  }
0x66: {  	v1 =	vld.idx.msk [tilespmem:v1+s6+$0x0], $0xffff;
	_ =	sdelay $0x4  }
0x67: {  	[tilespmem:s22+$0x1A750] =	vst v1;
	v1 =	vld [tilespmem:s22+$0x18770];
	_ =	sdelay $0x1  }
0x68: {  	v0 =	vld.idx.msk [tilespmem:v0+s6+$0x0], $0xffff;
	_ =	sdelay $0x4  }
0x69: {  	[tilespmem:s22+$0x1A760] =	vst v0  }
0x6a: {  	v0 =	vld.idx.msk [tilespmem:v1+s6+$0x0], $0xffff;
	_ =	sdelay $0x2  }
0x6b: {  	s18 =	sshll.u32 s18, $0x11  }
0x6c: {  	s18 =	sor.u32 s5, s18  }
0x6d: {  	s21 =	sadd.s32 s19, s9;
	s18 =	sshrl.u32 s18, $0x3;
	[tilespmem:s22+$0x1A770] =	vst v0  }
0x6e: {  	[tilespmem:s26], [sflag:$0x2] =	stream.strided.gather [hbm4b:s21+s24], $0x1000, s25, s24, $0x38;
	[tilespmem:$0x1C700] =	vst v63  }
0x6f: {  	s22 =	sadd.s32 s7, s18  }
0x70: {  	[hbm4b:s22+s24] =	stream.strided.scatter [tilespmem:s31], [sflag:$0x4], $0x1000, s25, s24, $0x38;
	[tilespmem:$0x1C700] =	vst v63  }
0x71: {  	_ =	swait.ge [sflag:s3], $0x1000  }
0x72: {  	[sflag:s3] =	ssyncset.done $0x0  }
0x73: {  	s20 =	simm.s32 $0x0;
	[sflag:s3] =	ssyncadd.s32 $0xFFFFF000  }
0x74: {  	v0 =	vld [tilespmem:s20+$0x19700];
	_ =	sdelay $0x5  }
0x75: {  	v1 =	vld [tilespmem:s20+$0x19710];
	_ =	sdelay $0x1  }
0x76: {  	v0 =	vld.idx.msk [tilespmem:v0+s6+$0x0], $0xffff;
	_ =	sdelay $0x4  }
0x77: {  	[tilespmem:s20+$0x1B700] =	vst v0;
	v0 =	vld [tilespmem:s20+$0x19720]  }
0x78: {  	v1 =	vld.idx.msk [tilespmem:v1+s6+$0x0], $0xffff;
	_ =	sdelay $0x4  }
0x79: {  	[tilespmem:s20+$0x1B710] =	vst v1;
	v1 =	vld [tilespmem:s20+$0x19730];
	_ =	sdelay $0x1  }
0x7a: {  	v0 =	vld.idx.msk [tilespmem:v0+s6+$0x0], $0xffff;
	_ =	sdelay $0x4  }
0x7b: {  	[tilespmem:s20+$0x1B720] =	vst v0;
	v0 =	vld [tilespmem:s20+$0x19740]  }
0x7c: {  	v1 =	vld.idx.msk [tilespmem:v1+s6+$0x0], $0xffff;
	_ =	sdelay $0x4  }
0x7d: {  	[tilespmem:s20+$0x1B730] =	vst v1;
	v1 =	vld [tilespmem:s20+$0x19750];
	_ =	sdelay $0x1  }
0x7e: {  	v0 =	vld.idx.msk [tilespmem:v0+s6+$0x0], $0xffff;
	_ =	sdelay $0x4  }
0x7f: {  	v2 =	vld [tilespmem:s20+$0x19760];
	[tilespmem:s20+$0x1B740] =	vst v0  }
0x80: {  	v0 =	vld.idx.msk [tilespmem:v1+s6+$0x0], $0xffff;
	_ =	sdelay $0x4  }
0x81: {  	[tilespmem:s20+$0x1B750] =	vst v0;
	v0 =	vld [tilespmem:s20+$0x19770];
	_ =	sdelay $0x1  }
0x82: {  	v1 =	vld.idx.msk [tilespmem:v2+s6+$0x0], $0xffff;
	_ =	sdelay $0x3  }
0x83: {  	s21 =	simm.s32 $0x400;
	s22 =	simm.s32 $0x80  }
.LBB2_5:
0x84: {  	p1 =	sne.s32 s21, $0x3E00;
	v2 =	vld [tilespmem:s22+$0x19700];
	[tilespmem:s20+$0x1B760] =	vst v1  }
0x85: {  	v0 =	vld.idx.msk [tilespmem:v0+s6+$0x0], $0xffff;
	_ =	sdelay $0x5  }
0x86: {  	v1 =	vld [tilespmem:s22+$0x19710];
	[tilespmem:s20+$0x1B770] =	vst v0;
	s20 =	smov.u32 s22  }
0x87: {  	v0 =	vld.idx.msk [tilespmem:v2+s6+$0x0], $0xffff;
	_ =	sdelay $0x5  }
0x88: {  	[tilespmem:s20+$0x1B700] =	vst v0;
	v0 =	vld [tilespmem:s20+$0x19720]  }
0x89: {  	v1 =	vld.idx.msk [tilespmem:v1+s6+$0x0], $0xffff;
	_ =	sdelay $0x5  }
0x8a: {  	[tilespmem:s20+$0x1B710] =	vst v1;
	v1 =	vld [tilespmem:s20+$0x19730]  }
0x8b: {  	v0 =	vld.idx.msk [tilespmem:v0+s6+$0x0], $0xffff;
	_ =	sdelay $0x5  }
0x8c: {  	[tilespmem:s20+$0x1B720] =	vst v0;
	v0 =	vld [tilespmem:s20+$0x19740]  }
0x8d: {  	v1 =	vld.idx.msk [tilespmem:v1+s6+$0x0], $0xffff;
	_ =	sdelay $0x5  }
0x8e: {  	[tilespmem:s20+$0x1B730] =	vst v1;
	v1 =	vld [tilespmem:s20+$0x19750]  }
0x8f: {  	v0 =	vld.idx.msk [tilespmem:v0+s6+$0x0], $0xffff;
	_ =	sdelay $0x5  }
0x90: {  	[tilespmem:s20+$0x1B740] =	vst v0;
	v2 =	vld [tilespmem:s20+$0x19760]  }
0x91: {  	v0 =	vld.idx.msk [tilespmem:v1+s6+$0x0], $0xffff;
	_ =	sdelay $0x5  }
0x92: {  	[tilespmem:s20+$0x1B750] =	vst v0;
	v0 =	vld [tilespmem:s20+$0x19770]  }
0x93: {  	v1 =	vld.idx.msk [tilespmem:v2+s6+$0x0], $0xffff  }
.Ltmp3:
0x94: {  	(pc) =	sbr.rel @p1 .LBB2_5-.Ltmp3, $2  }
0x95: {  	_ =	sdelay $0x2  }
0x96: {  	s22 =	sshra.s32 s21, $0x2;
	s21 =	sadd.s32 $0x200, s21  }
0x97: {  	_ =	sdelay $0x1  }
0x98: {  	v2 =	vld [tilespmem:s22+$0x19700]  }
0x99: {  	[tilespmem:s20+$0x1B760] =	vst v1  }
0x9a: {  	v0 =	vld.idx.msk [tilespmem:v0+s6+$0x0], $0xffff;
	_ =	sdelay $0x3  }
0x9b: {  	v1 =	vld [tilespmem:s22+$0x19710]  }
0x9c: {  	[tilespmem:s20+$0x1B770] =	vst v0  }
0x9d: {  	v0 =	vld.idx.msk [tilespmem:v2+s6+$0x0], $0xffff;
	_ =	sdelay $0x4  }
0x9e: {  	[tilespmem:s22+$0x1B700] =	vst v0;
	v0 =	vld [tilespmem:s22+$0x19720]  }
0x9f: {  	v1 =	vld.idx.msk [tilespmem:v1+s6+$0x0], $0xffff;
	_ =	sdelay $0x4  }
0xa0: {  	[tilespmem:s22+$0x1B710] =	vst v1;
	v1 =	vld [tilespmem:s22+$0x19730];
	_ =	sdelay $0x1  }
0xa1: {  	v0 =	vld.idx.msk [tilespmem:v0+s6+$0x0], $0xffff;
	_ =	sdelay $0x4  }
0xa2: {  	[tilespmem:s22+$0x1B720] =	vst v0;
	v0 =	vld [tilespmem:s22+$0x19740]  }
0xa3: {  	v1 =	vld.idx.msk [tilespmem:v1+s6+$0x0], $0xffff;
	_ =	sdelay $0x4  }
0xa4: {  	[tilespmem:s22+$0x1B730] =	vst v1;
	v1 =	vld [tilespmem:s22+$0x19750];
	_ =	sdelay $0x1  }
0xa5: {  	v0 =	vld.idx.msk [tilespmem:v0+s6+$0x0], $0xffff;
	_ =	sdelay $0x4  }
0xa6: {  	[tilespmem:s22+$0x1B740] =	vst v0;
	v0 =	vld [tilespmem:s22+$0x19760]  }
0xa7: {  	v1 =	vld.idx.msk [tilespmem:v1+s6+$0x0], $0xffff;
	_ =	sdelay $0x4  }
0xa8: {  	[tilespmem:s22+$0x1B750] =	vst v1;
	v1 =	vld [tilespmem:s22+$0x19770];
	_ =	sdelay $0x1  }
0xa9: {  	v0 =	vld.idx.msk [tilespmem:v0+s6+$0x0], $0xffff;
	_ =	sdelay $0x4  }
0xaa: {  	[tilespmem:s22+$0x1B760] =	vst v0  }
0xab: {  	v0 =	vld.idx.msk [tilespmem:v1+s6+$0x0], $0xffff;
	_ =	sdelay $0x4  }
0xac: {  	s19 =	sadd.s32 s19, s10;
	[tilespmem:s22+$0x1B770] =	vst v0  }
0xad: {  	[tilespmem:s28], [sflag:$0x3] =	stream.strided.gather [hbm4b:s19+s24], $0x1000, s25, s24, $0x38;
	[tilespmem:$0x1C700] =	vst v63  }
0xae: {  	s22 =	sadd.s32 s18, s11  }
0xaf: {  	[hbm4b:s22+s24] =	stream.strided.scatter [tilespmem:s0], [sflag:$0x5], $0x1000, s25, s24, $0x38;
	[tilespmem:$0x1C700] =	vst v63  }
0xb0: {  	_ =	swait.ge [sflag:s30], $0x1000  }
0xb1: {  	[sflag:s30] =	ssyncset.done $0x0  }
0xb2: {  	[sflag:s30] =	ssyncadd.s32 $0xFFFFF000  }
0xb3: {  	_ =	swait.ge [sflag:s14], $0x1000  }
0xb4: {  	[sflag:s14] =	ssyncset.done $0x0  }
0xb5: {  	s19 =	simm.s32 $0x0;
	[sflag:s14] =	ssyncadd.s32 $0xFFFFF000  }
0xb6: {  	v0 =	vld [tilespmem:s19+$0x18700];
	_ =	sdelay $0x5  }
0xb7: {  	v1 =	vld [tilespmem:s19+$0x18710];
	_ =	sdelay $0x1  }
0xb8: {  	v0 =	vld.idx.msk [tilespmem:v0+s6+$0x0], $0xffff;
	_ =	sdelay $0x4  }
0xb9: {  	[tilespmem:s19+$0x1A700] =	vst v0;
	v0 =	vld [tilespmem:s19+$0x18720]  }
0xba: {  	v1 =	vld.idx.msk [tilespmem:v1+s6+$0x0], $0xffff;
	_ =	sdelay $0x4  }
0xbb: {  	[tilespmem:s19+$0x1A710] =	vst v1;
	v1 =	vld [tilespmem:s19+$0x18730];
	_ =	sdelay $0x1  }
0xbc: {  	v0 =	vld.idx.msk [tilespmem:v0+s6+$0x0], $0xffff;
	_ =	sdelay $0x4  }
0xbd: {  	[tilespmem:s19+$0x1A720] =	vst v0;
	v0 =	vld [tilespmem:s19+$0x18740]  }
0xbe: {  	v1 =	vld.idx.msk [tilespmem:v1+s6+$0x0], $0xffff;
	_ =	sdelay $0x4  }
0xbf: {  	[tilespmem:s19+$0x1A730] =	vst v1;
	v1 =	vld [tilespmem:s19+$0x18750];
	_ =	sdelay $0x1  }
0xc0: {  	v0 =	vld.idx.msk [tilespmem:v0+s6+$0x0], $0xffff;
	_ =	sdelay $0x4  }
0xc1: {  	v2 =	vld [tilespmem:s19+$0x18760];
	[tilespmem:s19+$0x1A740] =	vst v0  }
0xc2: {  	v0 =	vld.idx.msk [tilespmem:v1+s6+$0x0], $0xffff;
	_ =	sdelay $0x4  }
0xc3: {  	[tilespmem:s19+$0x1A750] =	vst v0;
	v0 =	vld [tilespmem:s19+$0x18770];
	_ =	sdelay $0x1  }
0xc4: {  	v1 =	vld.idx.msk [tilespmem:v2+s6+$0x0], $0xffff;
	_ =	sdelay $0x3  }
0xc5: {  	s21 =	simm.s32 $0x80;
	s20 =	simm.s32 $0x400  }
.LBB2_7:
0xc6: {  	p1 =	sne.s32 s20, $0x3E00;
	v2 =	vld [tilespmem:s21+$0x18700];
	[tilespmem:s19+$0x1A760] =	vst v1  }
0xc7: {  	v0 =	vld.idx.msk [tilespmem:v0+s6+$0x0], $0xffff;
	_ =	sdelay $0x5  }
0xc8: {  	v1 =	vld [tilespmem:s21+$0x18710];
	[tilespmem:s19+$0x1A770] =	vst v0;
	s19 =	smov.u32 s21  }
0xc9: {  	v0 =	vld.idx.msk [tilespmem:v2+s6+$0x0], $0xffff;
	_ =	sdelay $0x5  }
0xca: {  	[tilespmem:s19+$0x1A700] =	vst v0;
	v0 =	vld [tilespmem:s19+$0x18720]  }
0xcb: {  	v1 =	vld.idx.msk [tilespmem:v1+s6+$0x0], $0xffff;
	_ =	sdelay $0x5  }
0xcc: {  	[tilespmem:s19+$0x1A710] =	vst v1;
	v1 =	vld [tilespmem:s19+$0x18730]  }
0xcd: {  	v0 =	vld.idx.msk [tilespmem:v0+s6+$0x0], $0xffff;
	_ =	sdelay $0x5  }
0xce: {  	[tilespmem:s19+$0x1A720] =	vst v0;
	v0 =	vld [tilespmem:s19+$0x18740]  }
0xcf: {  	v1 =	vld.idx.msk [tilespmem:v1+s6+$0x0], $0xffff;
	_ =	sdelay $0x5  }
0xd0: {  	[tilespmem:s19+$0x1A730] =	vst v1;
	v1 =	vld [tilespmem:s19+$0x18750]  }
0xd1: {  	v0 =	vld.idx.msk [tilespmem:v0+s6+$0x0], $0xffff;
	_ =	sdelay $0x5  }
0xd2: {  	[tilespmem:s19+$0x1A740] =	vst v0;
	v2 =	vld [tilespmem:s19+$0x18760]  }
0xd3: {  	v0 =	vld.idx.msk [tilespmem:v1+s6+$0x0], $0xffff;
	_ =	sdelay $0x5  }
0xd4: {  	[tilespmem:s19+$0x1A750] =	vst v0;
	v0 =	vld [tilespmem:s19+$0x18770]  }
0xd5: {  	v1 =	vld.idx.msk [tilespmem:v2+s6+$0x0], $0xffff  }
.Ltmp4:
0xd6: {  	(pc) =	sbr.rel @p1 .LBB2_7-.Ltmp4, $2  }
0xd7: {  	_ =	sdelay $0x2  }
0xd8: {  	s21 =	sshra.s32 s20, $0x2;
	s20 =	sadd.s32 $0x200, s20  }
0xd9: {  	_ =	sdelay $0x1  }
0xda: {  	v2 =	vld [tilespmem:s21+$0x18700]  }
0xdb: {  	[tilespmem:s19+$0x1A760] =	vst v1  }
0xdc: {  	v0 =	vld.idx.msk [tilespmem:v0+s6+$0x0], $0xffff;
	_ =	sdelay $0x3  }
0xdd: {  	v1 =	vld [tilespmem:s21+$0x18710]  }
0xde: {  	[tilespmem:s19+$0x1A770] =	vst v0  }
0xdf: {  	v0 =	vld.idx.msk [tilespmem:v2+s6+$0x0], $0xffff;
	_ =	sdelay $0x4  }
0xe0: {  	[tilespmem:s21+$0x1A700] =	vst v0;
	v0 =	vld [tilespmem:s21+$0x18720]  }
0xe1: {  	v1 =	vld.idx.msk [tilespmem:v1+s6+$0x0], $0xffff;
	_ =	sdelay $0x4  }
0xe2: {  	[tilespmem:s21+$0x1A710] =	vst v1;
	v1 =	vld [tilespmem:s21+$0x18730];
	_ =	sdelay $0x1  }
0xe3: {  	v0 =	vld.idx.msk [tilespmem:v0+s6+$0x0], $0xffff;
	_ =	sdelay $0x4  }
0xe4: {  	[tilespmem:s21+$0x1A720] =	vst v0;
	v0 =	vld [tilespmem:s21+$0x18740]  }
0xe5: {  	v1 =	vld.idx.msk [tilespmem:v1+s6+$0x0], $0xffff;
	_ =	sdelay $0x4  }
0xe6: {  	[tilespmem:s21+$0x1A730] =	vst v1;
	v1 =	vld [tilespmem:s21+$0x18750];
	_ =	sdelay $0x1  }
0xe7: {  	v0 =	vld.idx.msk [tilespmem:v0+s6+$0x0], $0xffff;
	_ =	sdelay $0x4  }
0xe8: {  	[tilespmem:s21+$0x1A740] =	vst v0;
	v0 =	vld [tilespmem:s21+$0x18760]  }
0xe9: {  	v1 =	vld.idx.msk [tilespmem:v1+s6+$0x0], $0xffff;
	_ =	sdelay $0x4  }
0xea: {  	[tilespmem:s21+$0x1A750] =	vst v1;
	v1 =	vld [tilespmem:s21+$0x18770];
	_ =	sdelay $0x1  }
0xeb: {  	v0 =	vld.idx.msk [tilespmem:v0+s6+$0x0], $0xffff;
	_ =	sdelay $0x4  }
0xec: {  	[tilespmem:s21+$0x1A760] =	vst v0  }
0xed: {  	v0 =	vld.idx.msk [tilespmem:v1+s6+$0x0], $0xffff;
	_ =	sdelay $0x4  }
0xee: {  	s22 =	sadd.s32 s18, s12;
	[tilespmem:s21+$0x1A770] =	vst v0  }
0xef: {  	[hbm4b:s22+s24] =	stream.strided.scatter [tilespmem:s31], [sflag:$0x4], $0x1000, s25, s24, $0x38;
	[tilespmem:$0x1C700] =	vst v63  }
0xf0: {  	_ =	swait.ge [sflag:s3], $0x1000  }
0xf1: {  	[sflag:s3] =	ssyncset.done $0x0  }
0xf2: {  	[sflag:s3] =	ssyncadd.s32 $0xFFFFF000  }
0xf3: {  	_ =	swait.ge [sflag:s15], $0x1000  }
0xf4: {  	[sflag:s15] =	ssyncset.done $0x0  }
0xf5: {  	s19 =	simm.s32 $0x0;
	[sflag:s15] =	ssyncadd.s32 $0xFFFFF000  }
0xf6: {  	v0 =	vld [tilespmem:s19+$0x19700];
	_ =	sdelay $0x5  }
0xf7: {  	v1 =	vld [tilespmem:s19+$0x19710];
	_ =	sdelay $0x1  }
0xf8: {  	v0 =	vld.idx.msk [tilespmem:v0+s6+$0x0], $0xffff;
	_ =	sdelay $0x4  }
0xf9: {  	[tilespmem:s19+$0x1B700] =	vst v0;
	v0 =	vld [tilespmem:s19+$0x19720]  }
0xfa: {  	v1 =	vld.idx.msk [tilespmem:v1+s6+$0x0], $0xffff;
	_ =	sdelay $0x4  }
0xfb: {  	[tilespmem:s19+$0x1B710] =	vst v1;
	v1 =	vld [tilespmem:s19+$0x19730];
	_ =	sdelay $0x1  }
0xfc: {  	v0 =	vld.idx.msk [tilespmem:v0+s6+$0x0], $0xffff;
	_ =	sdelay $0x4  }
0xfd: {  	[tilespmem:s19+$0x1B720] =	vst v0;
	v0 =	vld [tilespmem:s19+$0x19740]  }
0xfe: {  	v1 =	vld.idx.msk [tilespmem:v1+s6+$0x0], $0xffff;
	_ =	sdelay $0x4  }
0xff: {  	[tilespmem:s19+$0x1B730] =	vst v1;
	v1 =	vld [tilespmem:s19+$0x19750];
	_ =	sdelay $0x1  }
0x100: {  	v0 =	vld.idx.msk [tilespmem:v0+s6+$0x0], $0xffff;
	_ =	sdelay $0x4  }
0x101: {  	v2 =	vld [tilespmem:s19+$0x19760];
	[tilespmem:s19+$0x1B740] =	vst v0  }
0x102: {  	v0 =	vld.idx.msk [tilespmem:v1+s6+$0x0], $0xffff;
	_ =	sdelay $0x4  }
0x103: {  	[tilespmem:s19+$0x1B750] =	vst v0;
	v0 =	vld [tilespmem:s19+$0x19770];
	_ =	sdelay $0x1  }
0x104: {  	v1 =	vld.idx.msk [tilespmem:v2+s6+$0x0], $0xffff;
	_ =	sdelay $0x3  }
0x105: {  	s20 =	simm.s32 $0x400;
	s21 =	simm.s32 $0x80  }
.LBB2_9:
0x106: {  	p1 =	sne.s32 s20, $0x3E00;
	v2 =	vld [tilespmem:s21+$0x19700];
	[tilespmem:s19+$0x1B760] =	vst v1  }
0x107: {  	v0 =	vld.idx.msk [tilespmem:v0+s6+$0x0], $0xffff;
	_ =	sdelay $0x5  }
0x108: {  	v1 =	vld [tilespmem:s21+$0x19710];
	[tilespmem:s19+$0x1B770] =	vst v0;
	s19 =	smov.u32 s21  }
0x109: {  	v0 =	vld.idx.msk [tilespmem:v2+s6+$0x0], $0xffff;
	_ =	sdelay $0x5  }
0x10a: {  	[tilespmem:s19+$0x1B700] =	vst v0;
	v0 =	vld [tilespmem:s19+$0x19720]  }
0x10b: {  	v1 =	vld.idx.msk [tilespmem:v1+s6+$0x0], $0xffff;
	_ =	sdelay $0x5  }
0x10c: {  	[tilespmem:s19+$0x1B710] =	vst v1;
	v1 =	vld [tilespmem:s19+$0x19730]  }
0x10d: {  	v0 =	vld.idx.msk [tilespmem:v0+s6+$0x0], $0xffff;
	_ =	sdelay $0x5  }
0x10e: {  	[tilespmem:s19+$0x1B720] =	vst v0;
	v0 =	vld [tilespmem:s19+$0x19740]  }
0x10f: {  	v1 =	vld.idx.msk [tilespmem:v1+s6+$0x0], $0xffff;
	_ =	sdelay $0x5  }
0x110: {  	[tilespmem:s19+$0x1B730] =	vst v1;
	v1 =	vld [tilespmem:s19+$0x19750]  }
0x111: {  	v0 =	vld.idx.msk [tilespmem:v0+s6+$0x0], $0xffff;
	_ =	sdelay $0x5  }
0x112: {  	[tilespmem:s19+$0x1B740] =	vst v0;
	v2 =	vld [tilespmem:s19+$0x19760]  }
0x113: {  	v0 =	vld.idx.msk [tilespmem:v1+s6+$0x0], $0xffff;
	_ =	sdelay $0x5  }
0x114: {  	[tilespmem:s19+$0x1B750] =	vst v0;
	v0 =	vld [tilespmem:s19+$0x19770]  }
0x115: {  	v1 =	vld.idx.msk [tilespmem:v2+s6+$0x0], $0xffff  }
.Ltmp5:
0x116: {  	(pc) =	sbr.rel @p1 .LBB2_9-.Ltmp5, $2  }
0x117: {  	_ =	sdelay $0x2  }
0x118: {  	s21 =	sshra.s32 s20, $0x2;
	s20 =	sadd.s32 $0x200, s20  }
0x119: {  	_ =	sdelay $0x1  }
0x11a: {  	v2 =	vld [tilespmem:s21+$0x19700]  }
0x11b: {  	[tilespmem:s19+$0x1B760] =	vst v1  }
0x11c: {  	v0 =	vld.idx.msk [tilespmem:v0+s6+$0x0], $0xffff;
	_ =	sdelay $0x3  }
0x11d: {  	v1 =	vld [tilespmem:s21+$0x19710]  }
0x11e: {  	[tilespmem:s19+$0x1B770] =	vst v0  }
0x11f: {  	v0 =	vld.idx.msk [tilespmem:v2+s6+$0x0], $0xffff;
	_ =	sdelay $0x3  }
0x120: {  	v58 =	vld [tilespmem:s21+$0x19720]  }
0x121: {  	[tilespmem:s21+$0x1B700] =	vst v0  }
0x122: {  	v1 =	vld.idx.msk [tilespmem:v1+s6+$0x0], $0xffff;
	_ =	sdelay $0x3  }
0x123: {  	v59 =	vld [tilespmem:s21+$0x19730]  }
0x124: {  	[tilespmem:s21+$0x1B710] =	vst v1  }
0x125: {  	v0 =	vld.idx.msk [tilespmem:v58+s6+$0x0], $0xffff;
	_ =	sdelay $0x3  }
0x126: {  	v60 =	vld [tilespmem:s21+$0x19740]  }
0x127: {  	[tilespmem:s21+$0x1B720] =	vst v0  }
0x128: {  	v1 =	vld.idx.msk [tilespmem:v59+s6+$0x0], $0xffff;
	_ =	sdelay $0x3  }
0x129: {  	v61 =	vld [tilespmem:s21+$0x19750]  }
0x12a: {  	[tilespmem:s21+$0x1B730] =	vst v1  }
0x12b: {  	v0 =	vld.idx.msk [tilespmem:v60+s6+$0x0], $0xffff;
	_ =	sdelay $0x3  }
0x12c: {  	v62 =	vld [tilespmem:s21+$0x19760]  }
0x12d: {  	[tilespmem:s21+$0x1B740] =	vst v0  }
0x12e: {  	v1 =	vld.idx.msk [tilespmem:v61+s6+$0x0], $0xffff;
	_ =	sdelay $0x3  }
0x12f: {  	v63 =	vld [tilespmem:s21+$0x19770]  }
0x130: {  	[tilespmem:s21+$0x1B750] =	vst v1  }
0x131: {  	v0 =	vld.idx.msk [tilespmem:v62+s6+$0x0], $0xffff;
	_ =	sdelay $0x4  }
0x132: {  	[tilespmem:s21+$0x1B760] =	vst v0  }
0x133: {  	v0 =	vld.idx.msk [tilespmem:v63+s6+$0x0], $0xffff;
	_ =	sdelay $0x4  }
0x134: {  	s18 =	sadd.s32 s18, s13;
	s17 =	sadd.s32 $0x1, s17;
	[tilespmem:s21+$0x1B770] =	vst v0  }
0x135: {  	[hbm4b:s18+s24] =	stream.strided.scatter [tilespmem:s0], [sflag:$0x5], $0x1000, s25, s24, $0x38;
	[tilespmem:$0x1C700] =	vst v63  }
0x136: {  	p1 =	sne.s32 s17, $0x1A;
	_ =	swait.ge [sflag:s14], $0x1000  }
.Ltmp6:
0x137: {  	[sflag:s14] =	ssyncset.done $0x0;
	(pc) =	sbr.rel @p1 .LBB2_2-.Ltmp6, $4  }
0x138: {  	[sflag:s14] =	ssyncadd.s32 $0xFFFFF000  }
0x139: {  	_ =	swait.ge [sflag:s15], $0x1000  }
0x13a: {  	[sflag:s15] =	ssyncset.done $0x0  }
0x13b: {  	[sflag:s15] =	ssyncadd.s32 $0xFFFFF000  }
.Ltmp7:
0x13c: {  	(pc) =	sbr.rel @p0 .LBB2_21-.Ltmp7, $1  }
0x13d: {  	_ =	sdelay $0x3  }
0x13e: {  	s17 =	simm.s32 $0x0;
	s18 =	rddreg [dreg:$0x4]  }
0x13f: {  	[tilespmem:s17], [sflag:$0x1] =	stream.strided.gather [hbm4b:s18+s24], $0x18700, s25, s24, $0x38;
	[tilespmem:$0x1C700] =	vst v63  }
0x140: {  	s21 =	rddreg [dreg:$0x5]  }
0x141: {  	[tilespmem:s26], [sflag:$0x2] =	stream.strided.gather [hbm4b:s21+s24], $0x1000, s25, s24, $0x38;
	[tilespmem:$0x1C700] =	vst v63  }
0x142: {  	s22 =	rddreg [dreg:$0x6]  }
0x143: {  	[tilespmem:s28], [sflag:$0x3] =	stream.strided.gather [hbm4b:s22+s24], $0x1000, s25, s24, $0x38;
	[tilespmem:$0x1C700] =	vst v63  }
0x144: {  	_ =	swait.ge [sflag:s29], $0x18700  }
0x145: {  	[sflag:s29] =	ssyncset.done $0x0  }
0x146: {  	[sflag:s29] =	ssyncadd.s32 $0xFFFE7900  }
0x147: {  	_ =	swait.ge [sflag:s30], $0x1000  }
0x148: {  	[sflag:s30] =	ssyncset.done $0x0  }
0x149: {  	s17 =	simm.s32 $0x0;
	[sflag:s30] =	ssyncadd.s32 $0xFFFFF000  }
0x14a: {  	v0 =	vld [tilespmem:s17+$0x18700];
	_ =	sdelay $0x5  }
0x14b: {  	v1 =	vld [tilespmem:s17+$0x18710];
	_ =	sdelay $0x1  }
0x14c: {  	v0 =	vld.idx.msk [tilespmem:v0+s6+$0x0], $0xffff;
	_ =	sdelay $0x4  }
0x14d: {  	[tilespmem:s17+$0x1A700] =	vst v0;
	v0 =	vld [tilespmem:s17+$0x18720]  }
0x14e: {  	v1 =	vld.idx.msk [tilespmem:v1+s6+$0x0], $0xffff;
	_ =	sdelay $0x4  }
0x14f: {  	[tilespmem:s17+$0x1A710] =	vst v1;
	v1 =	vld [tilespmem:s17+$0x18730];
	_ =	sdelay $0x1  }
0x150: {  	v0 =	vld.idx.msk [tilespmem:v0+s6+$0x0], $0xffff;
	_ =	sdelay $0x4  }
0x151: {  	[tilespmem:s17+$0x1A720] =	vst v0;
	v0 =	vld [tilespmem:s17+$0x18740]  }
0x152: {  	v1 =	vld.idx.msk [tilespmem:v1+s6+$0x0], $0xffff;
	_ =	sdelay $0x4  }
0x153: {  	[tilespmem:s17+$0x1A730] =	vst v1;
	v1 =	vld [tilespmem:s17+$0x18750];
	_ =	sdelay $0x1  }
0x154: {  	v0 =	vld.idx.msk [tilespmem:v0+s6+$0x0], $0xffff;
	_ =	sdelay $0x4  }
0x155: {  	v2 =	vld [tilespmem:s17+$0x18760];
	[tilespmem:s17+$0x1A740] =	vst v0  }
0x156: {  	v0 =	vld.idx.msk [tilespmem:v1+s6+$0x0], $0xffff;
	_ =	sdelay $0x4  }
0x157: {  	[tilespmem:s17+$0x1A750] =	vst v0;
	v0 =	vld [tilespmem:s17+$0x18770];
	_ =	sdelay $0x1  }
0x158: {  	v1 =	vld.idx.msk [tilespmem:v2+s6+$0x0], $0xffff;
	_ =	sdelay $0x3  }
0x159: {  	s19 =	simm.s32 $0x80;
	s18 =	simm.s32 $0x400  }
.LBB2_13:
0x15a: {  	p1 =	sne.s32 s18, $0x3E00;
	v2 =	vld [tilespmem:s19+$0x18700];
	[tilespmem:s17+$0x1A760] =	vst v1  }
0x15b: {  	v0 =	vld.idx.msk [tilespmem:v0+s6+$0x0], $0xffff;
	_ =	sdelay $0x5  }
0x15c: {  	v1 =	vld [tilespmem:s19+$0x18710];
	[tilespmem:s17+$0x1A770] =	vst v0;
	s17 =	smov.u32 s19  }
0x15d: {  	v0 =	vld.idx.msk [tilespmem:v2+s6+$0x0], $0xffff;
	_ =	sdelay $0x5  }
0x15e: {  	[tilespmem:s17+$0x1A700] =	vst v0;
	v0 =	vld [tilespmem:s17+$0x18720]  }
0x15f: {  	v1 =	vld.idx.msk [tilespmem:v1+s6+$0x0], $0xffff;
	_ =	sdelay $0x5  }
0x160: {  	[tilespmem:s17+$0x1A710] =	vst v1;
	v1 =	vld [tilespmem:s17+$0x18730]  }
0x161: {  	v0 =	vld.idx.msk [tilespmem:v0+s6+$0x0], $0xffff;
	_ =	sdelay $0x5  }
0x162: {  	[tilespmem:s17+$0x1A720] =	vst v0;
	v0 =	vld [tilespmem:s17+$0x18740]  }
0x163: {  	v1 =	vld.idx.msk [tilespmem:v1+s6+$0x0], $0xffff;
	_ =	sdelay $0x5  }
0x164: {  	[tilespmem:s17+$0x1A730] =	vst v1;
	v1 =	vld [tilespmem:s17+$0x18750]  }
0x165: {  	v0 =	vld.idx.msk [tilespmem:v0+s6+$0x0], $0xffff;
	_ =	sdelay $0x5  }
0x166: {  	[tilespmem:s17+$0x1A740] =	vst v0;
	v2 =	vld [tilespmem:s17+$0x18760]  }
0x167: {  	v0 =	vld.idx.msk [tilespmem:v1+s6+$0x0], $0xffff;
	_ =	sdelay $0x5  }
0x168: {  	[tilespmem:s17+$0x1A750] =	vst v0;
	v0 =	vld [tilespmem:s17+$0x18770]  }
0x169: {  	v1 =	vld.idx.msk [tilespmem:v2+s6+$0x0], $0xffff  }
.Ltmp8:
0x16a: {  	(pc) =	sbr.rel @p1 .LBB2_13-.Ltmp8, $2  }
0x16b: {  	_ =	sdelay $0x2  }
0x16c: {  	s19 =	sshra.s32 s18, $0x2;
	s18 =	sadd.s32 $0x200, s18  }
0x16d: {  	_ =	sdelay $0x1  }
0x16e: {  	v2 =	vld [tilespmem:s19+$0x18700]  }
0x16f: {  	[tilespmem:s17+$0x1A760] =	vst v1  }
0x170: {  	v0 =	vld.idx.msk [tilespmem:v0+s6+$0x0], $0xffff;
	_ =	sdelay $0x3  }
0x171: {  	v1 =	vld [tilespmem:s19+$0x18710]  }
0x172: {  	[tilespmem:s17+$0x1A770] =	vst v0  }
0x173: {  	v0 =	vld.idx.msk [tilespmem:v2+s6+$0x0], $0xffff;
	_ =	sdelay $0x4  }
0x174: {  	[tilespmem:s19+$0x1A700] =	vst v0;
	v0 =	vld [tilespmem:s19+$0x18720]  }
0x175: {  	v1 =	vld.idx.msk [tilespmem:v1+s6+$0x0], $0xffff;
	_ =	sdelay $0x4  }
0x176: {  	[tilespmem:s19+$0x1A710] =	vst v1;
	v1 =	vld [tilespmem:s19+$0x18730];
	_ =	sdelay $0x1  }
0x177: {  	v0 =	vld.idx.msk [tilespmem:v0+s6+$0x0], $0xffff;
	_ =	sdelay $0x4  }
0x178: {  	[tilespmem:s19+$0x1A720] =	vst v0;
	v0 =	vld [tilespmem:s19+$0x18740]  }
0x179: {  	v1 =	vld.idx.msk [tilespmem:v1+s6+$0x0], $0xffff;
	_ =	sdelay $0x4  }
0x17a: {  	[tilespmem:s19+$0x1A730] =	vst v1;
	v1 =	vld [tilespmem:s19+$0x18750];
	_ =	sdelay $0x1  }
0x17b: {  	v0 =	vld.idx.msk [tilespmem:v0+s6+$0x0], $0xffff;
	_ =	sdelay $0x4  }
0x17c: {  	[tilespmem:s19+$0x1A740] =	vst v0;
	v0 =	vld [tilespmem:s19+$0x18760]  }
0x17d: {  	v1 =	vld.idx.msk [tilespmem:v1+s6+$0x0], $0xffff;
	_ =	sdelay $0x4  }
0x17e: {  	[tilespmem:s19+$0x1A750] =	vst v1;
	v1 =	vld [tilespmem:s19+$0x18770];
	_ =	sdelay $0x1  }
0x17f: {  	v0 =	vld.idx.msk [tilespmem:v0+s6+$0x0], $0xffff;
	_ =	sdelay $0x4  }
0x180: {  	[tilespmem:s19+$0x1A760] =	vst v0  }
0x181: {  	v0 =	vld.idx.msk [tilespmem:v1+s6+$0x0], $0xffff;
	_ =	sdelay $0x4  }
0x182: {  	s21 =	rddreg [dreg:$0x7];
	[tilespmem:s19+$0x1A770] =	vst v0  }
0x183: {  	[tilespmem:s26], [sflag:$0x2] =	stream.strided.gather [hbm4b:s21+s24], $0x1000, s25, s24, $0x38;
	[tilespmem:$0x1C700] =	vst v63  }
0x184: {  	s22 =	rddreg [dreg:$0x8]  }
0x185: {  	[hbm4b:s22+s24] =	stream.strided.scatter [tilespmem:s31], [sflag:$0x4], $0x1000, s25, s24, $0x38;
	[tilespmem:$0x1C700] =	vst v63  }
0x186: {  	_ =	swait.ge [sflag:s3], $0x1000  }
0x187: {  	[sflag:s3] =	ssyncset.done $0x0  }
0x188: {  	s17 =	simm.s32 $0x0;
	[sflag:s3] =	ssyncadd.s32 $0xFFFFF000  }
0x189: {  	v0 =	vld [tilespmem:s17+$0x19700];
	_ =	sdelay $0x5  }
0x18a: {  	v1 =	vld [tilespmem:s17+$0x19710];
	_ =	sdelay $0x1  }
0x18b: {  	v0 =	vld.idx.msk [tilespmem:v0+s6+$0x0], $0xffff;
	_ =	sdelay $0x4  }
0x18c: {  	[tilespmem:s17+$0x1B700] =	vst v0;
	v0 =	vld [tilespmem:s17+$0x19720]  }
0x18d: {  	v1 =	vld.idx.msk [tilespmem:v1+s6+$0x0], $0xffff;
	_ =	sdelay $0x4  }
0x18e: {  	[tilespmem:s17+$0x1B710] =	vst v1;
	v1 =	vld [tilespmem:s17+$0x19730];
	_ =	sdelay $0x1  }
0x18f: {  	v0 =	vld.idx.msk [tilespmem:v0+s6+$0x0], $0xffff;
	_ =	sdelay $0x4  }
0x190: {  	[tilespmem:s17+$0x1B720] =	vst v0;
	v0 =	vld [tilespmem:s17+$0x19740]  }
0x191: {  	v1 =	vld.idx.msk [tilespmem:v1+s6+$0x0], $0xffff;
	_ =	sdelay $0x4  }
0x192: {  	[tilespmem:s17+$0x1B730] =	vst v1;
	v1 =	vld [tilespmem:s17+$0x19750];
	_ =	sdelay $0x1  }
0x193: {  	v0 =	vld.idx.msk [tilespmem:v0+s6+$0x0], $0xffff;
	_ =	sdelay $0x4  }
0x194: {  	v2 =	vld [tilespmem:s17+$0x19760];
	[tilespmem:s17+$0x1B740] =	vst v0  }
0x195: {  	v0 =	vld.idx.msk [tilespmem:v1+s6+$0x0], $0xffff;
	_ =	sdelay $0x4  }
0x196: {  	[tilespmem:s17+$0x1B750] =	vst v0;
	v0 =	vld [tilespmem:s17+$0x19770];
	_ =	sdelay $0x1  }
0x197: {  	v1 =	vld.idx.msk [tilespmem:v2+s6+$0x0], $0xffff;
	_ =	sdelay $0x3  }
0x198: {  	s18 =	simm.s32 $0x400;
	s19 =	simm.s32 $0x80  }
.LBB2_15:
0x199: {  	p1 =	sne.s32 s18, $0x3E00;
	v2 =	vld [tilespmem:s19+$0x19700];
	[tilespmem:s17+$0x1B760] =	vst v1  }
0x19a: {  	v0 =	vld.idx.msk [tilespmem:v0+s6+$0x0], $0xffff;
	_ =	sdelay $0x5  }
0x19b: {  	v1 =	vld [tilespmem:s19+$0x19710];
	[tilespmem:s17+$0x1B770] =	vst v0;
	s17 =	smov.u32 s19  }
0x19c: {  	v0 =	vld.idx.msk [tilespmem:v2+s6+$0x0], $0xffff;
	_ =	sdelay $0x5  }
0x19d: {  	[tilespmem:s17+$0x1B700] =	vst v0;
	v0 =	vld [tilespmem:s17+$0x19720]  }
0x19e: {  	v1 =	vld.idx.msk [tilespmem:v1+s6+$0x0], $0xffff;
	_ =	sdelay $0x5  }
0x19f: {  	[tilespmem:s17+$0x1B710] =	vst v1;
	v1 =	vld [tilespmem:s17+$0x19730]  }
0x1a0: {  	v0 =	vld.idx.msk [tilespmem:v0+s6+$0x0], $0xffff;
	_ =	sdelay $0x5  }
0x1a1: {  	[tilespmem:s17+$0x1B720] =	vst v0;
	v0 =	vld [tilespmem:s17+$0x19740]  }
0x1a2: {  	v1 =	vld.idx.msk [tilespmem:v1+s6+$0x0], $0xffff;
	_ =	sdelay $0x5  }
0x1a3: {  	[tilespmem:s17+$0x1B730] =	vst v1;
	v1 =	vld [tilespmem:s17+$0x19750]  }
0x1a4: {  	v0 =	vld.idx.msk [tilespmem:v0+s6+$0x0], $0xffff;
	_ =	sdelay $0x5  }
0x1a5: {  	[tilespmem:s17+$0x1B740] =	vst v0;
	v2 =	vld [tilespmem:s17+$0x19760]  }
0x1a6: {  	v0 =	vld.idx.msk [tilespmem:v1+s6+$0x0], $0xffff;
	_ =	sdelay $0x5  }
0x1a7: {  	[tilespmem:s17+$0x1B750] =	vst v0;
	v0 =	vld [tilespmem:s17+$0x19770]  }
0x1a8: {  	v1 =	vld.idx.msk [tilespmem:v2+s6+$0x0], $0xffff  }
.Ltmp9:
0x1a9: {  	(pc) =	sbr.rel @p1 .LBB2_15-.Ltmp9, $2  }
0x1aa: {  	_ =	sdelay $0x2  }
0x1ab: {  	s19 =	sshra.s32 s18, $0x2;
	s18 =	sadd.s32 $0x200, s18  }
0x1ac: {  	_ =	sdelay $0x1  }
0x1ad: {  	v2 =	vld [tilespmem:s19+$0x19700]  }
0x1ae: {  	[tilespmem:s17+$0x1B760] =	vst v1  }
0x1af: {  	v0 =	vld.idx.msk [tilespmem:v0+s6+$0x0], $0xffff;
	_ =	sdelay $0x3  }
0x1b0: {  	v1 =	vld [tilespmem:s19+$0x19710]  }
0x1b1: {  	[tilespmem:s17+$0x1B770] =	vst v0  }
0x1b2: {  	v0 =	vld.idx.msk [tilespmem:v2+s6+$0x0], $0xffff;
	_ =	sdelay $0x4  }
0x1b3: {  	[tilespmem:s19+$0x1B700] =	vst v0;
	v0 =	vld [tilespmem:s19+$0x19720]  }
0x1b4: {  	v1 =	vld.idx.msk [tilespmem:v1+s6+$0x0], $0xffff;
	_ =	sdelay $0x4  }
0x1b5: {  	[tilespmem:s19+$0x1B710] =	vst v1;
	v1 =	vld [tilespmem:s19+$0x19730];
	_ =	sdelay $0x1  }
0x1b6: {  	v0 =	vld.idx.msk [tilespmem:v0+s6+$0x0], $0xffff;
	_ =	sdelay $0x4  }
0x1b7: {  	[tilespmem:s19+$0x1B720] =	vst v0;
	v0 =	vld [tilespmem:s19+$0x19740]  }
0x1b8: {  	v1 =	vld.idx.msk [tilespmem:v1+s6+$0x0], $0xffff;
	_ =	sdelay $0x4  }
0x1b9: {  	[tilespmem:s19+$0x1B730] =	vst v1;
	v1 =	vld [tilespmem:s19+$0x19750];
	_ =	sdelay $0x1  }
0x1ba: {  	v0 =	vld.idx.msk [tilespmem:v0+s6+$0x0], $0xffff;
	_ =	sdelay $0x4  }
0x1bb: {  	[tilespmem:s19+$0x1B740] =	vst v0;
	v0 =	vld [tilespmem:s19+$0x19760]  }
0x1bc: {  	v1 =	vld.idx.msk [tilespmem:v1+s6+$0x0], $0xffff;
	_ =	sdelay $0x4  }
0x1bd: {  	[tilespmem:s19+$0x1B750] =	vst v1;
	v1 =	vld [tilespmem:s19+$0x19770];
	_ =	sdelay $0x1  }
0x1be: {  	v0 =	vld.idx.msk [tilespmem:v0+s6+$0x0], $0xffff;
	_ =	sdelay $0x4  }
0x1bf: {  	[tilespmem:s19+$0x1B760] =	vst v0  }
0x1c0: {  	v0 =	vld.idx.msk [tilespmem:v1+s6+$0x0], $0xffff;
	_ =	sdelay $0x4  }
0x1c1: {  	s21 =	rddreg [dreg:$0x9];
	[tilespmem:s19+$0x1B770] =	vst v0  }
0x1c2: {  	[tilespmem:s28], [sflag:$0x3] =	stream.strided.gather [hbm4b:s21+s24], $0x1000, s25, s24, $0x38;
	[tilespmem:$0x1C700] =	vst v63  }
0x1c3: {  	s22 =	rddreg [dreg:$0xa]  }
0x1c4: {  	[hbm4b:s22+s24] =	stream.strided.scatter [tilespmem:s0], [sflag:$0x5], $0x1000, s25, s24, $0x38;
	[tilespmem:$0x1C700] =	vst v63  }
0x1c5: {  	_ =	swait.ge [sflag:s30], $0x1000  }
0x1c6: {  	[sflag:s30] =	ssyncset.done $0x0  }
0x1c7: {  	[sflag:s30] =	ssyncadd.s32 $0xFFFFF000  }
0x1c8: {  	_ =	swait.ge [sflag:s14], $0x1000  }
0x1c9: {  	[sflag:s14] =	ssyncset.done $0x0  }
0x1ca: {  	s17 =	simm.s32 $0x0;
	[sflag:s14] =	ssyncadd.s32 $0xFFFFF000  }
0x1cb: {  	v0 =	vld [tilespmem:s17+$0x18700];
	_ =	sdelay $0x5  }
0x1cc: {  	v1 =	vld [tilespmem:s17+$0x18710];
	_ =	sdelay $0x1  }
0x1cd: {  	v0 =	vld.idx.msk [tilespmem:v0+s6+$0x0], $0xffff;
	_ =	sdelay $0x4  }
0x1ce: {  	[tilespmem:s17+$0x1A700] =	vst v0;
	v0 =	vld [tilespmem:s17+$0x18720]  }
0x1cf: {  	v1 =	vld.idx.msk [tilespmem:v1+s6+$0x0], $0xffff;
	_ =	sdelay $0x4  }
0x1d0: {  	[tilespmem:s17+$0x1A710] =	vst v1;
	v1 =	vld [tilespmem:s17+$0x18730];
	_ =	sdelay $0x1  }
0x1d1: {  	v0 =	vld.idx.msk [tilespmem:v0+s6+$0x0], $0xffff;
	_ =	sdelay $0x4  }
0x1d2: {  	[tilespmem:s17+$0x1A720] =	vst v0;
	v0 =	vld [tilespmem:s17+$0x18740]  }
0x1d3: {  	v1 =	vld.idx.msk [tilespmem:v1+s6+$0x0], $0xffff;
	_ =	sdelay $0x4  }
0x1d4: {  	[tilespmem:s17+$0x1A730] =	vst v1;
	v1 =	vld [tilespmem:s17+$0x18750];
	_ =	sdelay $0x1  }
0x1d5: {  	v0 =	vld.idx.msk [tilespmem:v0+s6+$0x0], $0xffff;
	_ =	sdelay $0x4  }
0x1d6: {  	v2 =	vld [tilespmem:s17+$0x18760];
	[tilespmem:s17+$0x1A740] =	vst v0  }
0x1d7: {  	v0 =	vld.idx.msk [tilespmem:v1+s6+$0x0], $0xffff;
	_ =	sdelay $0x4  }
0x1d8: {  	[tilespmem:s17+$0x1A750] =	vst v0;
	v0 =	vld [tilespmem:s17+$0x18770];
	_ =	sdelay $0x1  }
0x1d9: {  	v1 =	vld.idx.msk [tilespmem:v2+s6+$0x0], $0xffff;
	_ =	sdelay $0x3  }
0x1da: {  	s18 =	simm.s32 $0x400;
	s19 =	simm.s32 $0x80  }
.LBB2_17:
0x1db: {  	p1 =	sne.s32 s18, $0x3E00;
	v2 =	vld [tilespmem:s19+$0x18700];
	[tilespmem:s17+$0x1A760] =	vst v1  }
0x1dc: {  	v0 =	vld.idx.msk [tilespmem:v0+s6+$0x0], $0xffff;
	_ =	sdelay $0x5  }
0x1dd: {  	v1 =	vld [tilespmem:s19+$0x18710];
	[tilespmem:s17+$0x1A770] =	vst v0;
	s17 =	smov.u32 s19  }
0x1de: {  	v0 =	vld.idx.msk [tilespmem:v2+s6+$0x0], $0xffff;
	_ =	sdelay $0x5  }
0x1df: {  	[tilespmem:s17+$0x1A700] =	vst v0;
	v0 =	vld [tilespmem:s17+$0x18720]  }
0x1e0: {  	v1 =	vld.idx.msk [tilespmem:v1+s6+$0x0], $0xffff;
	_ =	sdelay $0x5  }
0x1e1: {  	[tilespmem:s17+$0x1A710] =	vst v1;
	v1 =	vld [tilespmem:s17+$0x18730]  }
0x1e2: {  	v0 =	vld.idx.msk [tilespmem:v0+s6+$0x0], $0xffff;
	_ =	sdelay $0x5  }
0x1e3: {  	[tilespmem:s17+$0x1A720] =	vst v0;
	v0 =	vld [tilespmem:s17+$0x18740]  }
0x1e4: {  	v1 =	vld.idx.msk [tilespmem:v1+s6+$0x0], $0xffff;
	_ =	sdelay $0x5  }
0x1e5: {  	[tilespmem:s17+$0x1A730] =	vst v1;
	v1 =	vld [tilespmem:s17+$0x18750]  }
0x1e6: {  	v0 =	vld.idx.msk [tilespmem:v0+s6+$0x0], $0xffff;
	_ =	sdelay $0x5  }
0x1e7: {  	[tilespmem:s17+$0x1A740] =	vst v0;
	v2 =	vld [tilespmem:s17+$0x18760]  }
0x1e8: {  	v0 =	vld.idx.msk [tilespmem:v1+s6+$0x0], $0xffff;
	_ =	sdelay $0x5  }
0x1e9: {  	[tilespmem:s17+$0x1A750] =	vst v0;
	v0 =	vld [tilespmem:s17+$0x18770]  }
0x1ea: {  	v1 =	vld.idx.msk [tilespmem:v2+s6+$0x0], $0xffff  }
.Ltmp10:
0x1eb: {  	(pc) =	sbr.rel @p1 .LBB2_17-.Ltmp10, $2  }
0x1ec: {  	_ =	sdelay $0x2  }
0x1ed: {  	s19 =	sshra.s32 s18, $0x2;
	s18 =	sadd.s32 $0x200, s18  }
0x1ee: {  	_ =	sdelay $0x1  }
0x1ef: {  	v2 =	vld [tilespmem:s19+$0x18700]  }
0x1f0: {  	[tilespmem:s17+$0x1A760] =	vst v1  }
0x1f1: {  	v0 =	vld.idx.msk [tilespmem:v0+s6+$0x0], $0xffff;
	_ =	sdelay $0x3  }
0x1f2: {  	v1 =	vld [tilespmem:s19+$0x18710]  }
0x1f3: {  	[tilespmem:s17+$0x1A770] =	vst v0  }
0x1f4: {  	v0 =	vld.idx.msk [tilespmem:v2+s6+$0x0], $0xffff;
	_ =	sdelay $0x4  }
0x1f5: {  	[tilespmem:s19+$0x1A700] =	vst v0;
	v0 =	vld [tilespmem:s19+$0x18720]  }
0x1f6: {  	v1 =	vld.idx.msk [tilespmem:v1+s6+$0x0], $0xffff;
	_ =	sdelay $0x4  }
0x1f7: {  	[tilespmem:s19+$0x1A710] =	vst v1;
	v1 =	vld [tilespmem:s19+$0x18730];
	_ =	sdelay $0x1  }
0x1f8: {  	v0 =	vld.idx.msk [tilespmem:v0+s6+$0x0], $0xffff;
	_ =	sdelay $0x4  }
0x1f9: {  	[tilespmem:s19+$0x1A720] =	vst v0;
	v0 =	vld [tilespmem:s19+$0x18740]  }
0x1fa: {  	v1 =	vld.idx.msk [tilespmem:v1+s6+$0x0], $0xffff;
	_ =	sdelay $0x4  }
0x1fb: {  	[tilespmem:s19+$0x1A730] =	vst v1;
	v1 =	vld [tilespmem:s19+$0x18750];
	_ =	sdelay $0x1  }
0x1fc: {  	v0 =	vld.idx.msk [tilespmem:v0+s6+$0x0], $0xffff;
	_ =	sdelay $0x4  }
0x1fd: {  	[tilespmem:s19+$0x1A740] =	vst v0;
	v0 =	vld [tilespmem:s19+$0x18760]  }
0x1fe: {  	v1 =	vld.idx.msk [tilespmem:v1+s6+$0x0], $0xffff;
	_ =	sdelay $0x4  }
0x1ff: {  	[tilespmem:s19+$0x1A750] =	vst v1;
	v1 =	vld [tilespmem:s19+$0x18770];
	_ =	sdelay $0x1  }
0x200: {  	v0 =	vld.idx.msk [tilespmem:v0+s6+$0x0], $0xffff;
	_ =	sdelay $0x4  }
0x201: {  	[tilespmem:s19+$0x1A760] =	vst v0  }
0x202: {  	v0 =	vld.idx.msk [tilespmem:v1+s6+$0x0], $0xffff;
	_ =	sdelay $0x4  }
0x203: {  	s22 =	rddreg [dreg:$0xb];
	[tilespmem:s19+$0x1A770] =	vst v0  }
0x204: {  	[hbm4b:s22+s24] =	stream.strided.scatter [tilespmem:s31], [sflag:$0x4], $0x1000, s25, s24, $0x38;
	[tilespmem:$0x1C700] =	vst v63  }
0x205: {  	_ =	swait.ge [sflag:s3], $0x1000  }
0x206: {  	[sflag:s3] =	ssyncset.done $0x0  }
0x207: {  	[sflag:s3] =	ssyncadd.s32 $0xFFFFF000  }
0x208: {  	_ =	swait.ge [sflag:s15], $0x1000  }
0x209: {  	[sflag:s15] =	ssyncset.done $0x0  }
0x20a: {  	s17 =	simm.s32 $0x0;
	[sflag:s15] =	ssyncadd.s32 $0xFFFFF000  }
0x20b: {  	v0 =	vld [tilespmem:s17+$0x19700];
	_ =	sdelay $0x5  }
0x20c: {  	v1 =	vld [tilespmem:s17+$0x19710];
	_ =	sdelay $0x1  }
0x20d: {  	v0 =	vld.idx.msk [tilespmem:v0+s6+$0x0], $0xffff;
	_ =	sdelay $0x4  }
0x20e: {  	[tilespmem:s17+$0x1B700] =	vst v0;
	v0 =	vld [tilespmem:s17+$0x19720]  }
0x20f: {  	v1 =	vld.idx.msk [tilespmem:v1+s6+$0x0], $0xffff;
	_ =	sdelay $0x4  }
0x210: {  	[tilespmem:s17+$0x1B710] =	vst v1;
	v1 =	vld [tilespmem:s17+$0x19730];
	_ =	sdelay $0x1  }
0x211: {  	v0 =	vld.idx.msk [tilespmem:v0+s6+$0x0], $0xffff;
	_ =	sdelay $0x4  }
0x212: {  	[tilespmem:s17+$0x1B720] =	vst v0;
	v0 =	vld [tilespmem:s17+$0x19740]  }
0x213: {  	v1 =	vld.idx.msk [tilespmem:v1+s6+$0x0], $0xffff;
	_ =	sdelay $0x4  }
0x214: {  	[tilespmem:s17+$0x1B730] =	vst v1;
	v1 =	vld [tilespmem:s17+$0x19750];
	_ =	sdelay $0x1  }
0x215: {  	v0 =	vld.idx.msk [tilespmem:v0+s6+$0x0], $0xffff;
	_ =	sdelay $0x4  }
0x216: {  	v2 =	vld [tilespmem:s17+$0x19760];
	[tilespmem:s17+$0x1B740] =	vst v0  }
0x217: {  	v0 =	vld.idx.msk [tilespmem:v1+s6+$0x0], $0xffff;
	_ =	sdelay $0x4  }
0x218: {  	[tilespmem:s17+$0x1B750] =	vst v0;
	v0 =	vld [tilespmem:s17+$0x19770];
	_ =	sdelay $0x1  }
0x219: {  	v1 =	vld.idx.msk [tilespmem:v2+s6+$0x0], $0xffff;
	_ =	sdelay $0x3  }
0x21a: {  	s18 =	simm.s32 $0x400;
	s19 =	simm.s32 $0x80  }
.LBB2_19:
0x21b: {  	p1 =	sne.s32 s18, $0x3E00;
	v2 =	vld [tilespmem:s19+$0x19700];
	[tilespmem:s17+$0x1B760] =	vst v1  }
0x21c: {  	v0 =	vld.idx.msk [tilespmem:v0+s6+$0x0], $0xffff;
	_ =	sdelay $0x5  }
0x21d: {  	v1 =	vld [tilespmem:s19+$0x19710];
	[tilespmem:s17+$0x1B770] =	vst v0;
	s17 =	smov.u32 s19  }
0x21e: {  	v0 =	vld.idx.msk [tilespmem:v2+s6+$0x0], $0xffff;
	_ =	sdelay $0x5  }
0x21f: {  	[tilespmem:s17+$0x1B700] =	vst v0;
	v0 =	vld [tilespmem:s17+$0x19720]  }
0x220: {  	v1 =	vld.idx.msk [tilespmem:v1+s6+$0x0], $0xffff;
	_ =	sdelay $0x5  }
0x221: {  	[tilespmem:s17+$0x1B710] =	vst v1;
	v1 =	vld [tilespmem:s17+$0x19730]  }
0x222: {  	v0 =	vld.idx.msk [tilespmem:v0+s6+$0x0], $0xffff;
	_ =	sdelay $0x5  }
0x223: {  	[tilespmem:s17+$0x1B720] =	vst v0;
	v0 =	vld [tilespmem:s17+$0x19740]  }
0x224: {  	v1 =	vld.idx.msk [tilespmem:v1+s6+$0x0], $0xffff;
	_ =	sdelay $0x5  }
0x225: {  	[tilespmem:s17+$0x1B730] =	vst v1;
	v1 =	vld [tilespmem:s17+$0x19750]  }
0x226: {  	v0 =	vld.idx.msk [tilespmem:v0+s6+$0x0], $0xffff;
	_ =	sdelay $0x5  }
0x227: {  	[tilespmem:s17+$0x1B740] =	vst v0;
	v2 =	vld [tilespmem:s17+$0x19760]  }
0x228: {  	v0 =	vld.idx.msk [tilespmem:v1+s6+$0x0], $0xffff;
	_ =	sdelay $0x5  }
0x229: {  	[tilespmem:s17+$0x1B750] =	vst v0;
	v0 =	vld [tilespmem:s17+$0x19770]  }
0x22a: {  	v1 =	vld.idx.msk [tilespmem:v2+s6+$0x0], $0xffff  }
.Ltmp11:
0x22b: {  	(pc) =	sbr.rel @p1 .LBB2_19-.Ltmp11, $2  }
0x22c: {  	_ =	sdelay $0x2  }
0x22d: {  	s19 =	sshra.s32 s18, $0x2;
	s18 =	sadd.s32 $0x200, s18  }
0x22e: {  	_ =	sdelay $0x1  }
0x22f: {  	v2 =	vld [tilespmem:s19+$0x19700]  }
0x230: {  	[tilespmem:s17+$0x1B760] =	vst v1  }
0x231: {  	v0 =	vld.idx.msk [tilespmem:v0+s6+$0x0], $0xffff;
	_ =	sdelay $0x3  }
0x232: {  	v1 =	vld [tilespmem:s19+$0x19710]  }
0x233: {  	[tilespmem:s17+$0x1B770] =	vst v0  }
0x234: {  	v0 =	vld.idx.msk [tilespmem:v2+s6+$0x0], $0xffff;
	_ =	sdelay $0x3  }
0x235: {  	v58 =	vld [tilespmem:s19+$0x19720]  }
0x236: {  	[tilespmem:s19+$0x1B700] =	vst v0  }
0x237: {  	v1 =	vld.idx.msk [tilespmem:v1+s6+$0x0], $0xffff;
	_ =	sdelay $0x3  }
0x238: {  	v59 =	vld [tilespmem:s19+$0x19730]  }
0x239: {  	[tilespmem:s19+$0x1B710] =	vst v1  }
0x23a: {  	v0 =	vld.idx.msk [tilespmem:v58+s6+$0x0], $0xffff;
	_ =	sdelay $0x3  }
0x23b: {  	v60 =	vld [tilespmem:s19+$0x19740]  }
0x23c: {  	[tilespmem:s19+$0x1B720] =	vst v0  }
0x23d: {  	v1 =	vld.idx.msk [tilespmem:v59+s6+$0x0], $0xffff;
	_ =	sdelay $0x3  }
0x23e: {  	v61 =	vld [tilespmem:s19+$0x19750]  }
0x23f: {  	[tilespmem:s19+$0x1B730] =	vst v1  }
0x240: {  	v0 =	vld.idx.msk [tilespmem:v60+s6+$0x0], $0xffff;
	_ =	sdelay $0x3  }
0x241: {  	v62 =	vld [tilespmem:s19+$0x19760]  }
0x242: {  	[tilespmem:s19+$0x1B740] =	vst v0  }
0x243: {  	v1 =	vld.idx.msk [tilespmem:v61+s6+$0x0], $0xffff;
	_ =	sdelay $0x3  }
0x244: {  	v63 =	vld [tilespmem:s19+$0x19770]  }
0x245: {  	[tilespmem:s19+$0x1B750] =	vst v1  }
0x246: {  	v0 =	vld.idx.msk [tilespmem:v62+s6+$0x0], $0xffff;
	_ =	sdelay $0x4  }
0x247: {  	[tilespmem:s19+$0x1B760] =	vst v0  }
0x248: {  	v0 =	vld.idx.msk [tilespmem:v63+s6+$0x0], $0xffff;
	_ =	sdelay $0x4  }
0x249: {  	s22 =	rddreg [dreg:$0xc];
	[tilespmem:s19+$0x1B770] =	vst v0  }
0x24a: {  	[hbm4b:s22+s24] =	stream.strided.scatter [tilespmem:s0], [sflag:$0x5], $0x1000, s25, s24, $0x38;
	[tilespmem:$0x1C700] =	vst v63  }
0x24b: {  	_ =	swait.ge [sflag:s14], $0x1000  }
.Ltmp12:
0x24c: {  	[sflag:s14] =	ssyncset.done $0x0;
	(pc) =	sbr.rel .LBB2_21-.Ltmp12, $4  }
0x24d: {  	[sflag:s14] =	ssyncadd.s32 $0xFFFFF000  }
0x24e: {  	_ =	swait.ge [sflag:s15], $0x1000  }
0x24f: {  	[sflag:s15] =	ssyncset.done $0x0  }
0x250: {  	[sflag:s15] =	ssyncadd.s32 $0xFFFFF000  }
.LBB2_22:
0x251: {  	_ =	sfence.sel $0x180000  }
0x252: {  	[bflag:$0x0] =	sbarrier.arrive $0xFFFF  }
0x253: {  	_ =	strace $0x90000047  }
0x254: {  	s0 =	stileid.u32;
	[bflag:$0x2] =	sbarrier.arrive $0xFFFF  }
0x255: {  	p0 =	sne.s32 s0, $0x0;
	s0 =	rddreg [dreg:$0x3]  }
0x256: {  	s0 =	sadd.s32 @!p0 $0x100000, s0  }
0x257: {  	[sflag:s0] =	ssyncadd.tile.s32 @!p0 $0x1;
	_ =	shalt  }
.Lfunc_end2:
_tile_overlayer_lowered:
.L_overlay_start_2:
0x258: {  	(tag) =	ssettag $0x2  }
0x259: {  	s0 =	rddreg [dreg:$0x0];
	s2 =	stileid.u32  }
0x25a: {  	s1 =	rddreg [dreg:$0x1];
	p0 =	sne.s32 s2, $0x0  }
0x25b: {  	s3 =	rddreg [dreg:$0x2];
	[bflag:$0x3] =	sbarrier.arrive $0xFFFF;
	s2 =	simm.s32 @!p0 $0x1C06  }
0x25c: {  	[timem:s3], [sflag:s2] =	dma.local @!p0 [hbm:s0], s1  }
0x25d: {  	s0 =	simm.s32 @!p0 $0x6  }
0x25e: {  	_ =	swait.ge @!p0 [sflag:s0], s1  }
0x25f: {  	s1 =	ssub.s32 @!p0 $0x0, s1;
	[sflag:s0] =	ssyncset.done @!p0 $0x0  }
0x260: {  	[sflag:s0] =	ssyncadd.s32 @!p0 s1  }
0x261: {  	[bflag:$0x3] =	sbarrier.arrive $0xFFFF  }
0x262: {  	_ =	shalt  }

</sc_bundles>
